<compile_context>
chip_gen: v7x
topology: tpu7x:2x2x1
jax: 0.10.2.dev20260603
libtpu: 0.0.44.dev20260713+nightly
codegen_flags: <defaults>
</compile_context>

<pallas_src>
import functools

import jax
import jax.numpy as jnp
from jax import lax
from jax.experimental import pallas as pl
from jax.experimental.pallas import tpu as pltpu
from jax.experimental.pallas import tpu_sc as plsc

_D = 64
_NC = 2
_NS = 16
_NW = _NC * _NS
_CHUNK = 96



def _mm2_body(x_ref, wl_ref, wr_ref, y_ref, r_ref):
    xb = x_ref[...]
    y_ref[...] = jnp.dot(xb, wl_ref[...], preferred_element_type=jnp.float32)
    r_ref[...] = jnp.dot(xb, wr_ref[...], preferred_element_type=jnp.float32)


def _mm2(x, wl, wr, blk=1024):
    n, d_in = x.shape
    return pl.pallas_call(
        _mm2_body,
        grid=(n // blk,),
        in_specs=[
            pl.BlockSpec((blk, d_in), lambda i: (i, 0)),
            pl.BlockSpec((d_in, _D), lambda i: (0, 0)),
            pl.BlockSpec((d_in, _D), lambda i: (0, 0)),
        ],
        out_specs=[
            pl.BlockSpec((blk, _D), lambda i: (i, 0)),
            pl.BlockSpec((blk, _D), lambda i: (i, 0)),
        ],
        out_shape=[jax.ShapeDtypeStruct((n, _D), jnp.float32)] * 2,
    )(x, wl, wr)


def _combine_body(pa_ref, pb_ref, ca_ref, cb_ref, r_ref, wl_ref, wr_ref,
                  b_ref, y_ref, r2_ref):
    cnt = jnp.maximum(ca_ref[...] + cb_ref[...], 1.0)
    h = (pa_ref[...] + pb_ref[...]) / cnt + r_ref[...] + b_ref[...]
    h = jnp.maximum(h, 0.0)
    y_ref[...] = jnp.dot(h, wl_ref[...], preferred_element_type=jnp.float32)
    r2_ref[...] = jnp.dot(h, wr_ref[...], preferred_element_type=jnp.float32)


def _combine(pa, pb, ca, cb, r, wl, wr, b, blk=1024):
    n = pa.shape[0]
    return pl.pallas_call(
        _combine_body,
        grid=(n // blk,),
        in_specs=[
            pl.BlockSpec((blk, _D), lambda i: (i, 0)),
            pl.BlockSpec((blk, _D), lambda i: (i, 0)),
            pl.BlockSpec((blk, 1), lambda i: (i, 0)),
            pl.BlockSpec((blk, 1), lambda i: (i, 0)),
            pl.BlockSpec((blk, _D), lambda i: (i, 0)),
            pl.BlockSpec((_D, _D), lambda i: (0, 0)),
            pl.BlockSpec((_D, _D), lambda i: (0, 0)),
            pl.BlockSpec((1, _D), lambda i: (0, 0)),
        ],
        out_specs=[
            pl.BlockSpec((blk, _D), lambda i: (i, 0)),
            pl.BlockSpec((blk, _D), lambda i: (i, 0)),
        ],
        out_shape=[jax.ShapeDtypeStruct((n, _D), jnp.float32)] * 2,
    )(pa, pb, ca, cb, r, wl, wr, b)


def _final_body(pa_ref, pb_ref, ca_ref, cb_ref, r_ref, b_ref, out_ref):
    cnt = jnp.maximum(ca_ref[...] + cb_ref[...], 1.0)
    out_ref[...] = (pa_ref[...] + pb_ref[...]) / cnt + r_ref[...] + b_ref[...]


def _final(pa, pb, ca, cb, r, b, blk=1024):
    n = pa.shape[0]
    return pl.pallas_call(
        _final_body,
        grid=(n // blk,),
        in_specs=[
            pl.BlockSpec((blk, _D), lambda i: (i, 0)),
            pl.BlockSpec((blk, _D), lambda i: (i, 0)),
            pl.BlockSpec((blk, 1), lambda i: (i, 0)),
            pl.BlockSpec((blk, 1), lambda i: (i, 0)),
            pl.BlockSpec((blk, _D), lambda i: (i, 0)),
            pl.BlockSpec((1, _D), lambda i: (0, 0)),
        ],
        out_specs=pl.BlockSpec((blk, _D), lambda i: (i, 0)),
        out_shape=jax.ShapeDtypeStruct((n, _D), jnp.float32),
    )(pa, pb, ca, cb, r, b)



def _sc_agg_build(n_pad, k, with_counts):
    rpt = n_pad // _NS

    def body(*refs):
        if with_counts:
            (y_hbm, src_hbm, dst_hbm, zrow_hbm, zcnt_hbm, ones_hbm,
             part_hbm, cnt_hbm,
             acc_sh, cnt_sh, y_sh, srcv, dstv, rows0, rows1, rows2,
             onesv, gsem, ssem, csem) = refs
        else:
            (y_hbm, src_hbm, dst_hbm, zrow_hbm,
             part_hbm,
             acc_sh, y_sh, srcv, dstv, rows0, rows1, rows2,
             gsem, ssem, csem) = refs
        cid = lax.axis_index("c")
        sid = lax.axis_index("s")
        wid = cid * _NS + sid
        base = sid * rpt

        pro = [
            pltpu.make_async_copy(zrow_hbm, acc_sh.at[pl.ds(base, rpt)],
                                  ssem),
            pltpu.make_async_copy(y_hbm.at[pl.ds(base, rpt)],
                                  y_sh.at[pl.ds(base, rpt)], ssem),
            pltpu.make_async_copy(src_hbm.at[wid], srcv, ssem),
            pltpu.make_async_copy(dst_hbm.at[wid], dstv, ssem),
        ]
        if with_counts:
            pro.append(pltpu.make_async_copy(
                zcnt_hbm, cnt_sh.at[pl.ds(base, rpt)], ssem))
            pro.append(pltpu.make_async_copy(ones_hbm, onesv, ssem))
        for d in pro:
            d.start()
        for d in pro:
            d.wait()
        plsc.subcore_barrier()

        bufs = (rows0, rows1, rows2)
        ng3 = k // 3

        def gstart(j, buf):
            pltpu.async_copy(y_sh.at[srcv.at[j]], buf, gsem)

        def gwait(buf):
            pltpu.make_async_copy(y_sh.at[srcv.at[0]], buf, gsem).wait()

        def sstart(j, buf):
            if with_counts:
                pltpu.make_async_copy(
                    onesv, cnt_sh.at[dstv.at[j]], csem).start(add=True)
            pltpu.make_async_copy(
                buf, acc_sh.at[dstv.at[j]], ssem).start(add=True)

        def swait():
            pltpu.make_async_copy(
                rows0, acc_sh.at[dstv.at[0]], ssem).wait()

        gstart(0, bufs[0])
        gstart(1, bufs[1])
        gwait(bufs[0])
        sstart(0, bufs[0])
        gstart(2, bufs[2])
        for j in (1, 2):
            gwait(bufs[j % 3])
            sstart(j, bufs[j % 3])
            swait()
            gstart(j + 2, bufs[(j + 2) % 3])

        def group(g, carry):
            for b in range(3):
                j3 = 3 * g + b
                gwait(bufs[b])
                sstart(j3, bufs[b])
                swait()
                gstart(j3 + 2, bufs[(b + 2) % 3])
            return carry

        lax.fori_loop(1, ng3 - 1, group, 0)

        jt = k - 3
        gwait(bufs[jt % 3])
        sstart(jt, bufs[jt % 3])
        swait()
        gstart(jt + 2, bufs[(jt + 2) % 3])
        for j in (k - 2, k - 1):
            gwait(bufs[j % 3])
            sstart(j, bufs[j % 3])
            swait()
        swait()
        if with_counts:
            def cdrain(j, carry):
                pltpu.make_async_copy(
                    onesv, cnt_sh.at[dstv.at[0]], csem).wait()
                return carry
            lax.fori_loop(0, k, cdrain, 0)
        plsc.subcore_barrier()

        out_base = cid * n_pad + base
        pltpu.sync_copy(acc_sh.at[pl.ds(base, rpt)],
                        part_hbm.at[pl.ds(out_base, rpt)])
        if with_counts:
            pltpu.sync_copy(cnt_sh.at[pl.ds(base, rpt)],
                            cnt_hbm.at[pl.ds(out_base, rpt)])

    mesh = plsc.VectorSubcoreMesh(core_axis_name="c", subcore_axis_name="s",
                                  num_cores=_NC, num_subcores=_NS)
    out_type = [jax.ShapeDtypeStruct((_NC * n_pad, _D), jnp.float32)]
    scratch = [
        pltpu.VMEM_SHARED((n_pad, _D), jnp.float32),
        pltpu.VMEM_SHARED((n_pad, _D), jnp.float32),
        pltpu.VMEM((k, _CHUNK), jnp.int32),
        pltpu.VMEM((k, _CHUNK), jnp.int32),
        pltpu.VMEM((_CHUNK, _D), jnp.float32),
        pltpu.VMEM((_CHUNK, _D), jnp.float32),
        pltpu.VMEM((_CHUNK, _D), jnp.float32),
        pltpu.SemaphoreType.DMA,
        pltpu.SemaphoreType.DMA,
        pltpu.SemaphoreType.DMA,
    ]
    if with_counts:
        out_type.append(jax.ShapeDtypeStruct((_NC * n_pad,), jnp.float32))
        scratch = [
            pltpu.VMEM_SHARED((n_pad, _D), jnp.float32),
            pltpu.VMEM_SHARED((n_pad,), jnp.float32),
            pltpu.VMEM_SHARED((n_pad, _D), jnp.float32),
            pltpu.VMEM((k, _CHUNK), jnp.int32),
            pltpu.VMEM((k, _CHUNK), jnp.int32),
            pltpu.VMEM((_CHUNK, _D), jnp.float32),
            pltpu.VMEM((_CHUNK, _D), jnp.float32),
            pltpu.VMEM((_CHUNK, _D), jnp.float32),
            pltpu.VMEM((_CHUNK,), jnp.float32),
            pltpu.SemaphoreType.DMA,
            pltpu.SemaphoreType.DMA,
            pltpu.SemaphoreType.DMA,
        ]
    return pl.kernel(body, out_type=out_type, mesh=mesh,
                     scratch_types=scratch,
                     compiler_params=pltpu.CompilerParams(
                         use_tc_tiling_on_sc=False))



def kernel(x, edge_index, Wl1, Wr1, b1, Wl2, Wr2, b2):
    n, d_in = x.shape
    e = edge_index.shape[1]
    n_pad = ((n + 1 + _NS * _D - 1) // (_NS * _D)) * (_NS * _D)
    k = -(-e // (_NW * _CHUNK))
    k = max(-(-k // 3) * 3, 9)
    e_pad = _NW * k * _CHUNK

    src = edge_index[0]
    dst = edge_index[1]
    dummy = n + (jnp.arange(e_pad - e, dtype=jnp.int32) % (n_pad - n))
    src_p = jnp.concatenate(
        [src, jnp.zeros((e_pad - e,), jnp.int32)]).reshape(_NW, k, _CHUNK)
    dst_p = jnp.concatenate([dst, dummy]).reshape(_NW, k, _CHUNK)

    x_p = jnp.pad(x, ((0, n_pad - n), (0, 0)))
    zrow = jnp.zeros((n_pad // _NS, _D), jnp.float32)
    zcnt = jnp.zeros((n_pad // _NS,), jnp.float32)
    ones = jnp.ones((_CHUNK,), jnp.float32)
    b1r = b1.reshape(1, _D)
    b2r = b2.reshape(1, _D)

    y1, r1 = _mm2(x_p, Wl1, Wr1)
    agg1 = _sc_agg_build(n_pad, k, True)
    part1, cnt1 = agg1(y1, src_p, dst_p, zrow, zcnt, ones)
    pa1, pb1 = part1[:n_pad], part1[n_pad:]
    ca = cnt1[:n_pad].reshape(n_pad, 1)
    cb = cnt1[n_pad:].reshape(n_pad, 1)

    y2, r2 = _combine(pa1, pb1, ca, cb, r1, Wl2, Wr2, b1r)

    agg2 = _sc_agg_build(n_pad, k, False)
    (part2,) = agg2(y2, src_p, dst_p, zrow)
    out = _final(part2[:n_pad], part2[n_pad:], ca, cb, r2, b2r)
    return out[:n]

# --- scband reference (transcript-rebuilt; emitter-appended) ---
"""Pipeline reference for scband-encoder-80874234183757 (READ-ONLY COPY).

The authoritative reference and input builder live on the scoring server;
editing this copy changes nothing except your own understanding.
"""

import jax, jax.numpy as jnp
import numpy as np

N = 10000
E = 320000
D_IN = 128
D = 64


def setup_inputs(seed: int = 0) -> dict:
    key = jax.random.key(seed)
    ks = jax.random.split(key, 8)
    x = jax.random.normal(ks[0], (N, D_IN), dtype=jnp.float32)
    edge_index = jax.random.randint(ks[1], (2, E), 0, N, dtype=jnp.int32)
    # SAGEConv layer 1: lin_l (aggregated neighbors), lin_r (root), bias
    Wl1 = jax.random.normal(ks[2], (D_IN, D), dtype=jnp.float32) * 0.05
    Wr1 = jax.random.normal(ks[3], (D_IN, D), dtype=jnp.float32) * 0.05
    b1 = jnp.zeros((D,), dtype=jnp.float32)
    # SAGEConv layer 2
    Wl2 = jax.random.normal(ks[4], (D, D), dtype=jnp.float32) * 0.05
    Wr2 = jax.random.normal(ks[5], (D, D), dtype=jnp.float32) * 0.05
    b2 = jnp.zeros((D,), dtype=jnp.float32)
    return {"x": x, "edge_index": edge_index, "Wl1": Wl1, "Wr1": Wr1, "b1": b1,
            "Wl2": Wl2, "Wr2": Wr2, "b2": b2}


def _sage_conv(h, edge_index, Wl, Wr, b):
    # PyG SAGEConv with default mean aggregation:
    # out_i = Wl @ mean_{j in N(i)} h_j + Wr @ h_i + b
    src = edge_index[0]
    dst = edge_index[1]
    msgs = h[src]  # gather source node features per edge
    agg = jax.ops.segment_sum(msgs, dst, num_segments=N)
    cnt = jax.ops.segment_sum(jnp.ones((E,), dtype=h.dtype), dst, num_segments=N)
    mean = agg / jnp.maximum(cnt, 1.0)[:, None]
    return mean @ Wl + h @ Wr + b


def reference(x, edge_index, Wl1, Wr1, b1, Wl2, Wr2, b2):
    h = _sage_conv(x, edge_index, Wl1, Wr1, b1)
    h = jax.nn.relu(h)
    h = _sage_conv(h, edge_index, Wl2, Wr2, b2)
    return h

if __name__ == "__main__":
    import jax
    _d = setup_inputs()
    print(jax.jit(kernel)(*tuple(_d.values())))

</pallas_src>

<mosaic_0001>
#map = affine_map<(d0, d1) -> (0, 0)>
#map1 = affine_map<(d0, d1) -> (0, 0, 0)>
module attributes {stable_mosaic.version = 14 : i64} {
  func.func @body(%arg0: i32, %arg1: i32, %arg2: memref<10240x64xf32, #tpu.memory_space<hbm>>, %arg3: memref<32x105x96xi32, #tpu.memory_space<hbm>>, %arg4: memref<32x105x96xi32, #tpu.memory_space<hbm>>, %arg5: memref<640x64xf32, #tpu.memory_space<hbm>>, %arg6: memref<20480x64xf32, #tpu.memory_space<hbm>>, %arg7: memref<10240x64xf32, #tpu.memory_space<vmem_shared>>, %arg8: memref<10240x64xf32, #tpu.memory_space<vmem_shared>>, %arg9: memref<105x96xi32, #tpu.memory_space<vmem>>, %arg10: memref<105x96xi32, #tpu.memory_space<vmem>>, %arg11: memref<96x64xf32, #tpu.memory_space<vmem>>, %arg12: memref<96x64xf32, #tpu.memory_space<vmem>>, %arg13: memref<96x64xf32, #tpu.memory_space<vmem>>, %arg14: memref<!tpu.dma_semaphore, #tpu.memory_space<semaphore_mem>>, %arg15: memref<!tpu.dma_semaphore, #tpu.memory_space<semaphore_mem>>, %arg16: memref<!tpu.dma_semaphore, #tpu.memory_space<semaphore_mem>>) attributes {dimension_semantics = [#tpu.dimension_semantics<core_parallel>, #tpu.dimension_semantics<subcore_parallel>], iteration_bounds = array<i64: 2, 16>, scalar_prefetch = 0 : i64, scratch_operands = 10 : i64, tpu.core_type = #tpu.core_type<sc_vector_subcore>, window_params = [{transform_indices = #map}, {transform_indices = #map1}, {transform_indices = #map1}, {transform_indices = #map}, {transform_indices = #map}]} {
    %mul3A = arith.constant 16 : i32
    %mul3A_0 = arith.muli %arg0, %mul3A : i32
    %add3A = arith.addi %mul3A_0, %arg1 : i32
    %mul3A_1 = arith.constant 640 : i32
    %mul3A_2 = arith.muli %arg1, %mul3A_1 : i32
    %dma_start3A = arith.constant 0 : i32
    %dma_start3A_3 = tpu.memref_slice %arg7[%mul3A_2, %dma_start3A] : memref<10240x64xf32, #tpu.memory_space<vmem_shared>> -> memref<640x64xf32, #tpu.memory_space<vmem_shared>>
    tpu.enqueue_dma source(%arg5 : memref<640x64xf32, #tpu.memory_space<hbm>>) target(%dma_start3A_3 : memref<640x64xf32, #tpu.memory_space<vmem_shared>>) target_semaphore(%arg15 : memref<!tpu.dma_semaphore, #tpu.memory_space<semaphore_mem>>)
    %dma_start3A_4 = arith.constant 0 : i32
    %dma_start3A_5 = tpu.memref_slice %arg8[%mul3A_2, %dma_start3A_4] : memref<10240x64xf32, #tpu.memory_space<vmem_shared>> -> memref<640x64xf32, #tpu.memory_space<vmem_shared>>
    %dma_start3A_6 = arith.constant 0 : i32
    %dma_start3A_7 = tpu.memref_slice %arg2[%mul3A_2, %dma_start3A_6] : memref<10240x64xf32, #tpu.memory_space<hbm>> -> memref<640x64xf32, #tpu.memory_space<hbm>>
    tpu.enqueue_dma source(%dma_start3A_7 : memref<640x64xf32, #tpu.memory_space<hbm>>) target(%dma_start3A_5 : memref<640x64xf32, #tpu.memory_space<vmem_shared>>) target_semaphore(%arg15 : memref<!tpu.dma_semaphore, #tpu.memory_space<semaphore_mem>>)
    %dma_start3A_8 = arith.constant 0 : i32
    %dma_start3A_9 = arith.constant 0 : i32
    %dma_start3A_10 = tpu.memref_slice %arg3[%add3A, %dma_start3A_8, %dma_start3A_9] : memref<32x105x96xi32, #tpu.memory_space<hbm>> -> memref<1x105x96xi32, #tpu.memory_space<hbm>>
    %dma_start3A_11 = tpu.memref_squeeze %dma_start3A_10 : memref<1x105x96xi32, #tpu.memory_space<hbm>> -> memref<105x96xi32, #tpu.memory_space<hbm>>
    %dma_start3A_12 = arith.constant 0 : i32
    %dma_start3A_13 = arith.constant 0 : i32
    %dma_start3A_14 = tpu.memref_slice %arg3[%add3A, %dma_start3A_12, %dma_start3A_13] : memref<32x105x96xi32, #tpu.memory_space<hbm>> -> memref<1x105x96xi32, #tpu.memory_space<hbm>>
    %dma_start3A_15 = tpu.memref_squeeze %dma_start3A_14 : memref<1x105x96xi32, #tpu.memory_space<hbm>> -> memref<105x96xi32, #tpu.memory_space<hbm>>
    tpu.enqueue_dma source(%dma_start3A_15 : memref<105x96xi32, #tpu.memory_space<hbm>>) target(%arg9 : memref<105x96xi32, #tpu.memory_space<vmem>>) target_semaphore(%arg15 : memref<!tpu.dma_semaphore, #tpu.memory_space<semaphore_mem>>)
    %dma_start3A_16 = arith.constant 0 : i32
    %dma_start3A_17 = arith.constant 0 : i32
    %dma_start3A_18 = tpu.memref_slice %arg4[%add3A, %dma_start3A_16, %dma_start3A_17] : memref<32x105x96xi32, #tpu.memory_space<hbm>> -> memref<1x105x96xi32, #tpu.memory_space<hbm>>
    %dma_start3A_19 = tpu.memref_squeeze %dma_start3A_18 : memref<1x105x96xi32, #tpu.memory_space<hbm>> -> memref<105x96xi32, #tpu.memory_space<hbm>>
    %dma_start3A_20 = arith.constant 0 : i32
    %dma_start3A_21 = arith.constant 0 : i32
    %dma_start3A_22 = tpu.memref_slice %arg4[%add3A, %dma_start3A_20, %dma_start3A_21] : memref<32x105x96xi32, #tpu.memory_space<hbm>> -> memref<1x105x96xi32, #tpu.memory_space<hbm>>
    %dma_start3A_23 = tpu.memref_squeeze %dma_start3A_22 : memref<1x105x96xi32, #tpu.memory_space<hbm>> -> memref<105x96xi32, #tpu.memory_space<hbm>>
    tpu.enqueue_dma source(%dma_start3A_23 : memref<105x96xi32, #tpu.memory_space<hbm>>) target(%arg10 : memref<105x96xi32, #tpu.memory_space<vmem>>) target_semaphore(%arg15 : memref<!tpu.dma_semaphore, #tpu.memory_space<semaphore_mem>>)
    %dma_wait3A = arith.constant 0 : i32
    %dma_wait3A_24 = tpu.memref_slice %arg7[%mul3A_2, %dma_wait3A] : memref<10240x64xf32, #tpu.memory_space<vmem_shared>> -> memref<640x64xf32, #tpu.memory_space<vmem_shared>>
    tpu.wait_dma2 semaphore(%arg15 : memref<!tpu.dma_semaphore, #tpu.memory_space<semaphore_mem>>) src(%arg5 : memref<640x64xf32, #tpu.memory_space<hbm>>) dst(%dma_wait3A_24 : memref<640x64xf32, #tpu.memory_space<vmem_shared>>)
    %dma_wait3A_25 = arith.constant 0 : i32
    %dma_wait3A_26 = tpu.memref_slice %arg8[%mul3A_2, %dma_wait3A_25] : memref<10240x64xf32, #tpu.memory_space<vmem_shared>> -> memref<640x64xf32, #tpu.memory_space<vmem_shared>>
    %dma_wait3A_27 = arith.constant 0 : i32
    %dma_wait3A_28 = tpu.memref_slice %arg2[%mul3A_2, %dma_wait3A_27] : memref<10240x64xf32, #tpu.memory_space<hbm>> -> memref<640x64xf32, #tpu.memory_space<hbm>>
    tpu.wait_dma2 semaphore(%arg15 : memref<!tpu.dma_semaphore, #tpu.memory_space<semaphore_mem>>) src(%dma_wait3A_28 : memref<640x64xf32, #tpu.memory_space<hbm>>) dst(%dma_wait3A_26 : memref<640x64xf32, #tpu.memory_space<vmem_shared>>)
    %dma_wait3A_29 = arith.constant 0 : i32
    %dma_wait3A_30 = arith.constant 0 : i32
    %dma_wait3A_31 = tpu.memref_slice %arg3[%add3A, %dma_wait3A_29, %dma_wait3A_30] : memref<32x105x96xi32, #tpu.memory_space<hbm>> -> memref<1x105x96xi32, #tpu.memory_space<hbm>>
    %dma_wait3A_32 = tpu.memref_squeeze %dma_wait3A_31 : memref<1x105x96xi32, #tpu.memory_space<hbm>> -> memref<105x96xi32, #tpu.memory_space<hbm>>
    %dma_wait3A_33 = arith.constant 0 : i32
    %dma_wait3A_34 = arith.constant 0 : i32
    %dma_wait3A_35 = tpu.memref_slice %arg3[%add3A, %dma_wait3A_33, %dma_wait3A_34] : memref<32x105x96xi32, #tpu.memory_space<hbm>> -> memref<1x105x96xi32, #tpu.memory_space<hbm>>
    %dma_wait3A_36 = tpu.memref_squeeze %dma_wait3A_35 : memref<1x105x96xi32, #tpu.memory_space<hbm>> -> memref<105x96xi32, #tpu.memory_space<hbm>>
    tpu.wait_dma2 semaphore(%arg15 : memref<!tpu.dma_semaphore, #tpu.memory_space<semaphore_mem>>) src(%dma_wait3A_36 : memref<105x96xi32, #tpu.memory_space<hbm>>) dst(%arg9 : memref<105x96xi32, #tpu.memory_space<vmem>>)
    %dma_wait3A_37 = arith.constant 0 : i32
    %dma_wait3A_38 = arith.constant 0 : i32
    %dma_wait3A_39 = tpu.memref_slice %arg4[%add3A, %dma_wait3A_37, %dma_wait3A_38] : memref<32x105x96xi32, #tpu.memory_space<hbm>> -> memref<1x105x96xi32, #tpu.memory_space<hbm>>
    %dma_wait3A_40 = tpu.memref_squeeze %dma_wait3A_39 : memref<1x105x96xi32, #tpu.memory_space<hbm>> -> memref<105x96xi32, #tpu.memory_space<hbm>>
    %dma_wait3A_41 = arith.constant 0 : i32
    %dma_wait3A_42 = arith.constant 0 : i32
    %dma_wait3A_43 = tpu.memref_slice %arg4[%add3A, %dma_wait3A_41, %dma_wait3A_42] : memref<32x105x96xi32, #tpu.memory_space<hbm>> -> memref<1x105x96xi32, #tpu.memory_space<hbm>>
    %dma_wait3A_44 = tpu.memref_squeeze %dma_wait3A_43 : memref<1x105x96xi32, #tpu.memory_space<hbm>> -> memref<105x96xi32, #tpu.memory_space<hbm>>
    tpu.wait_dma2 semaphore(%arg15 : memref<!tpu.dma_semaphore, #tpu.memory_space<semaphore_mem>>) src(%dma_wait3A_44 : memref<105x96xi32, #tpu.memory_space<hbm>>) dst(%arg10 : memref<105x96xi32, #tpu.memory_space<vmem>>)
    %barrier3A = arith.constant 0 : index
    tpu.barrier barrier_id(%barrier3A)
    %dma_start3A_45 = arith.constant 0 : i32
    %dma_start3A_46 = arith.constant 0 : i32
    %dma_start3A_47 = tpu.memref_slice %arg9[%dma_start3A_45, %dma_start3A_46] : memref<105x96xi32, #tpu.memory_space<vmem>> -> memref<1x96xi32, #tpu.memory_space<vmem>>
    %dma_start3A_48 = tpu.memref_squeeze %dma_start3A_47 : memref<1x96xi32, #tpu.memory_space<vmem>> -> memref<96xi32, #tpu.memory_space<vmem>>
    %dma_start3A_49 = arith.constant 0 : i32
    %dma_start3A_50 = arith.constant 0 : i32
    %dma_start3A_51 = tpu.memref_slice %arg8[%dma_start3A_49, %dma_start3A_50] : memref<10240x64xf32, #tpu.memory_space<vmem_shared>> -> memref<10240x64xf32, #tpu.memory_space<vmem_shared>>
    tpu.enqueue_indirect_dma source(%dma_start3A_51 : memref<10240x64xf32, #tpu.memory_space<vmem_shared>>) target(%arg11 : memref<96x64xf32, #tpu.memory_space<vmem>>) offsets(%dma_start3A_48 : memref<96xi32, #tpu.memory_space<vmem>>) semaphore(%arg14 : memref<!tpu.dma_semaphore, #tpu.memory_space<semaphore_mem>>)
    %dma_start3A_52 = arith.constant 1 : i32
    %dma_start3A_53 = arith.constant 0 : i32
    %dma_start3A_54 = tpu.memref_slice %arg9[%dma_start3A_52, %dma_start3A_53] : memref<105x96xi32, #tpu.memory_space<vmem>> -> memref<1x96xi32, #tpu.memory_space<vmem>>
    %dma_start3A_55 = tpu.memref_squeeze %dma_start3A_54 : memref<1x96xi32, #tpu.memory_space<vmem>> -> memref<96xi32, #tpu.memory_space<vmem>>
    %dma_start3A_56 = arith.constant 0 : i32
    %dma_start3A_57 = arith.constant 0 : i32
    %dma_start3A_58 = tpu.memref_slice %arg8[%dma_start3A_56, %dma_start3A_57] : memref<10240x64xf32, #tpu.memory_space<vmem_shared>> -> memref<10240x64xf32, #tpu.memory_space<vmem_shared>>
    tpu.enqueue_indirect_dma source(%dma_start3A_58 : memref<10240x64xf32, #tpu.memory_space<vmem_shared>>) target(%arg12 : memref<96x64xf32, #tpu.memory_space<vmem>>) offsets(%dma_start3A_55 : memref<96xi32, #tpu.memory_space<vmem>>) semaphore(%arg14 : memref<!tpu.dma_semaphore, #tpu.memory_space<semaphore_mem>>)
    %dma_wait3A_59 = arith.constant 0 : i32
    %dma_wait3A_60 = arith.constant 0 : i32
    %dma_wait3A_61 = tpu.memref_slice %arg9[%dma_wait3A_59, %dma_wait3A_60] : memref<105x96xi32, #tpu.memory_space<vmem>> -> memref<1x96xi32, #tpu.memory_space<vmem>>
    %dma_wait3A_62 = tpu.memref_squeeze %dma_wait3A_61 : memref<1x96xi32, #tpu.memory_space<vmem>> -> memref<96xi32, #tpu.memory_space<vmem>>
    %dma_wait3A_63 = arith.constant 0 : i32
    %dma_wait3A_64 = arith.constant 0 : i32
    %dma_wait3A_65 = tpu.memref_slice %arg8[%dma_wait3A_63, %dma_wait3A_64] : memref<10240x64xf32, #tpu.memory_space<vmem_shared>> -> memref<10240x64xf32, #tpu.memory_space<vmem_shared>>
    tpu.wait_indirect_dma semaphore(%arg14 : memref<!tpu.dma_semaphore, #tpu.memory_space<semaphore_mem>>) src(%dma_wait3A_65 : memref<10240x64xf32, #tpu.memory_space<vmem_shared>>) dst(%arg11 : memref<96x64xf32, #tpu.memory_space<vmem>>)
    %dma_start3A_66 = arith.constant 0 : i32
    %dma_start3A_67 = arith.constant 0 : i32
    %dma_start3A_68 = tpu.memref_slice %arg10[%dma_start3A_66, %dma_start3A_67] : memref<105x96xi32, #tpu.memory_space<vmem>> -> memref<1x96xi32, #tpu.memory_space<vmem>>
    %dma_start3A_69 = tpu.memref_squeeze %dma_start3A_68 : memref<1x96xi32, #tpu.memory_space<vmem>> -> memref<96xi32, #tpu.memory_space<vmem>>
    %dma_start3A_70 = arith.constant 0 : i32
    %dma_start3A_71 = arith.constant 0 : i32
    %dma_start3A_72 = tpu.memref_slice %arg7[%dma_start3A_70, %dma_start3A_71] : memref<10240x64xf32, #tpu.memory_space<vmem_shared>> -> memref<10240x64xf32, #tpu.memory_space<vmem_shared>>
    tpu.enqueue_indirect_dma source(%arg11 : memref<96x64xf32, #tpu.memory_space<vmem>>) target(%dma_start3A_72 : memref<10240x64xf32, #tpu.memory_space<vmem_shared>>) offsets(%dma_start3A_69 : memref<96xi32, #tpu.memory_space<vmem>>) semaphore(%arg15 : memref<!tpu.dma_semaphore, #tpu.memory_space<semaphore_mem>>) {add = true}
    %dma_start3A_73 = arith.constant 2 : i32
    %dma_start3A_74 = arith.constant 0 : i32
    %dma_start3A_75 = tpu.memref_slice %arg9[%dma_start3A_73, %dma_start3A_74] : memref<105x96xi32, #tpu.memory_space<vmem>> -> memref<1x96xi32, #tpu.memory_space<vmem>>
    %dma_start3A_76 = tpu.memref_squeeze %dma_start3A_75 : memref<1x96xi32, #tpu.memory_space<vmem>> -> memref<96xi32, #tpu.memory_space<vmem>>
    %dma_start3A_77 = arith.constant 0 : i32
    %dma_start3A_78 = arith.constant 0 : i32
    %dma_start3A_79 = tpu.memref_slice %arg8[%dma_start3A_77, %dma_start3A_78] : memref<10240x64xf32, #tpu.memory_space<vmem_shared>> -> memref<10240x64xf32, #tpu.memory_space<vmem_shared>>
    tpu.enqueue_indirect_dma source(%dma_start3A_79 : memref<10240x64xf32, #tpu.memory_space<vmem_shared>>) target(%arg13 : memref<96x64xf32, #tpu.memory_space<vmem>>) offsets(%dma_start3A_76 : memref<96xi32, #tpu.memory_space<vmem>>) semaphore(%arg14 : memref<!tpu.dma_semaphore, #tpu.memory_space<semaphore_mem>>)
    %dma_wait3A_80 = arith.constant 0 : i32
    %dma_wait3A_81 = arith.constant 0 : i32
    %dma_wait3A_82 = tpu.memref_slice %arg9[%dma_wait3A_80, %dma_wait3A_81] : memref<105x96xi32, #tpu.memory_space<vmem>> -> memref<1x96xi32, #tpu.memory_space<vmem>>
    %dma_wait3A_83 = tpu.memref_squeeze %dma_wait3A_82 : memref<1x96xi32, #tpu.memory_space<vmem>> -> memref<96xi32, #tpu.memory_space<vmem>>
    %dma_wait3A_84 = arith.constant 0 : i32
    %dma_wait3A_85 = arith.constant 0 : i32
    %dma_wait3A_86 = tpu.memref_slice %arg8[%dma_wait3A_84, %dma_wait3A_85] : memref<10240x64xf32, #tpu.memory_space<vmem_shared>> -> memref<10240x64xf32, #tpu.memory_space<vmem_shared>>
    tpu.wait_indirect_dma semaphore(%arg14 : memref<!tpu.dma_semaphore, #tpu.memory_space<semaphore_mem>>) src(%dma_wait3A_86 : memref<10240x64xf32, #tpu.memory_space<vmem_shared>>) dst(%arg12 : memref<96x64xf32, #tpu.memory_space<vmem>>)
    %dma_start3A_87 = arith.constant 1 : i32
    %dma_start3A_88 = arith.constant 0 : i32
    %dma_start3A_89 = tpu.memref_slice %arg10[%dma_start3A_87, %dma_start3A_88] : memref<105x96xi32, #tpu.memory_space<vmem>> -> memref<1x96xi32, #tpu.memory_space<vmem>>
    %dma_start3A_90 = tpu.memref_squeeze %dma_start3A_89 : memref<1x96xi32, #tpu.memory_space<vmem>> -> memref<96xi32, #tpu.memory_space<vmem>>
    %dma_start3A_91 = arith.constant 0 : i32
    %dma_start3A_92 = arith.constant 0 : i32
    %dma_start3A_93 = tpu.memref_slice %arg7[%dma_start3A_91, %dma_start3A_92] : memref<10240x64xf32, #tpu.memory_space<vmem_shared>> -> memref<10240x64xf32, #tpu.memory_space<vmem_shared>>
    tpu.enqueue_indirect_dma source(%arg12 : memref<96x64xf32, #tpu.memory_space<vmem>>) target(%dma_start3A_93 : memref<10240x64xf32, #tpu.memory_space<vmem_shared>>) offsets(%dma_start3A_90 : memref<96xi32, #tpu.memory_space<vmem>>) semaphore(%arg15 : memref<!tpu.dma_semaphore, #tpu.memory_space<semaphore_mem>>) {add = true}
    %dma_wait3A_94 = arith.constant 0 : i32
    %dma_wait3A_95 = arith.constant 0 : i32
    %dma_wait3A_96 = tpu.memref_slice %arg10[%dma_wait3A_94, %dma_wait3A_95] : memref<105x96xi32, #tpu.memory_space<vmem>> -> memref<1x96xi32, #tpu.memory_space<vmem>>
    %dma_wait3A_97 = tpu.memref_squeeze %dma_wait3A_96 : memref<1x96xi32, #tpu.memory_space<vmem>> -> memref<96xi32, #tpu.memory_space<vmem>>
    %dma_wait3A_98 = arith.constant 0 : i32
    %dma_wait3A_99 = arith.constant 0 : i32
    %dma_wait3A_100 = tpu.memref_slice %arg7[%dma_wait3A_98, %dma_wait3A_99] : memref<10240x64xf32, #tpu.memory_space<vmem_shared>> -> memref<10240x64xf32, #tpu.memory_space<vmem_shared>>
    tpu.wait_indirect_dma semaphore(%arg15 : memref<!tpu.dma_semaphore, #tpu.memory_space<semaphore_mem>>) src(%arg11 : memref<96x64xf32, #tpu.memory_space<vmem>>) dst(%dma_wait3A_100 : memref<10240x64xf32, #tpu.memory_space<vmem_shared>>)
    %dma_start3A_101 = arith.constant 3 : i32
    %dma_start3A_102 = arith.constant 0 : i32
    %dma_start3A_103 = tpu.memref_slice %arg9[%dma_start3A_101, %dma_start3A_102] : memref<105x96xi32, #tpu.memory_space<vmem>> -> memref<1x96xi32, #tpu.memory_space<vmem>>
    %dma_start3A_104 = tpu.memref_squeeze %dma_start3A_103 : memref<1x96xi32, #tpu.memory_space<vmem>> -> memref<96xi32, #tpu.memory_space<vmem>>
    %dma_start3A_105 = arith.constant 0 : i32
    %dma_start3A_106 = arith.constant 0 : i32
    %dma_start3A_107 = tpu.memref_slice %arg8[%dma_start3A_105, %dma_start3A_106] : memref<10240x64xf32, #tpu.memory_space<vmem_shared>> -> memref<10240x64xf32, #tpu.memory_space<vmem_shared>>
    tpu.enqueue_indirect_dma source(%dma_start3A_107 : memref<10240x64xf32, #tpu.memory_space<vmem_shared>>) target(%arg11 : memref<96x64xf32, #tpu.memory_space<vmem>>) offsets(%dma_start3A_104 : memref<96xi32, #tpu.memory_space<vmem>>) semaphore(%arg14 : memref<!tpu.dma_semaphore, #tpu.memory_space<semaphore_mem>>)
    %dma_wait3A_108 = arith.constant 0 : i32
    %dma_wait3A_109 = arith.constant 0 : i32
    %dma_wait3A_110 = tpu.memref_slice %arg9[%dma_wait3A_108, %dma_wait3A_109] : memref<105x96xi32, #tpu.memory_space<vmem>> -> memref<1x96xi32, #tpu.memory_space<vmem>>
    %dma_wait3A_111 = tpu.memref_squeeze %dma_wait3A_110 : memref<1x96xi32, #tpu.memory_space<vmem>> -> memref<96xi32, #tpu.memory_space<vmem>>
    %dma_wait3A_112 = arith.constant 0 : i32
    %dma_wait3A_113 = arith.constant 0 : i32
    %dma_wait3A_114 = tpu.memref_slice %arg8[%dma_wait3A_112, %dma_wait3A_113] : memref<10240x64xf32, #tpu.memory_space<vmem_shared>> -> memref<10240x64xf32, #tpu.memory_space<vmem_shared>>
    tpu.wait_indirect_dma semaphore(%arg14 : memref<!tpu.dma_semaphore, #tpu.memory_space<semaphore_mem>>) src(%dma_wait3A_114 : memref<10240x64xf32, #tpu.memory_space<vmem_shared>>) dst(%arg13 : memref<96x64xf32, #tpu.memory_space<vmem>>)
    %dma_start3A_115 = arith.constant 2 : i32
    %dma_start3A_116 = arith.constant 0 : i32
    %dma_start3A_117 = tpu.memref_slice %arg10[%dma_start3A_115, %dma_start3A_116] : memref<105x96xi32, #tpu.memory_space<vmem>> -> memref<1x96xi32, #tpu.memory_space<vmem>>
    %dma_start3A_118 = tpu.memref_squeeze %dma_start3A_117 : memref<1x96xi32, #tpu.memory_space<vmem>> -> memref<96xi32, #tpu.memory_space<vmem>>
    %dma_start3A_119 = arith.constant 0 : i32
    %dma_start3A_120 = arith.constant 0 : i32
    %dma_start3A_121 = tpu.memref_slice %arg7[%dma_start3A_119, %dma_start3A_120] : memref<10240x64xf32, #tpu.memory_space<vmem_shared>> -> memref<10240x64xf32, #tpu.memory_space<vmem_shared>>
    tpu.enqueue_indirect_dma source(%arg13 : memref<96x64xf32, #tpu.memory_space<vmem>>) target(%dma_start3A_121 : memref<10240x64xf32, #tpu.memory_space<vmem_shared>>) offsets(%dma_start3A_118 : memref<96xi32, #tpu.memory_space<vmem>>) semaphore(%arg15 : memref<!tpu.dma_semaphore, #tpu.memory_space<semaphore_mem>>) {add = true}
    %dma_wait3A_122 = arith.constant 0 : i32
    %dma_wait3A_123 = arith.constant 0 : i32
    %dma_wait3A_124 = tpu.memref_slice %arg10[%dma_wait3A_122, %dma_wait3A_123] : memref<105x96xi32, #tpu.memory_space<vmem>> -> memref<1x96xi32, #tpu.memory_space<vmem>>
    %dma_wait3A_125 = tpu.memref_squeeze %dma_wait3A_124 : memref<1x96xi32, #tpu.memory_space<vmem>> -> memref<96xi32, #tpu.memory_space<vmem>>
    %dma_wait3A_126 = arith.constant 0 : i32
    %dma_wait3A_127 = arith.constant 0 : i32
    %dma_wait3A_128 = tpu.memref_slice %arg7[%dma_wait3A_126, %dma_wait3A_127] : memref<10240x64xf32, #tpu.memory_space<vmem_shared>> -> memref<10240x64xf32, #tpu.memory_space<vmem_shared>>
    tpu.wait_indirect_dma semaphore(%arg15 : memref<!tpu.dma_semaphore, #tpu.memory_space<semaphore_mem>>) src(%arg11 : memref<96x64xf32, #tpu.memory_space<vmem>>) dst(%dma_wait3A_128 : memref<10240x64xf32, #tpu.memory_space<vmem_shared>>)
    %dma_start3A_129 = arith.constant 4 : i32
    %dma_start3A_130 = arith.constant 0 : i32
    %dma_start3A_131 = tpu.memref_slice %arg9[%dma_start3A_129, %dma_start3A_130] : memref<105x96xi32, #tpu.memory_space<vmem>> -> memref<1x96xi32, #tpu.memory_space<vmem>>
    %dma_start3A_132 = tpu.memref_squeeze %dma_start3A_131 : memref<1x96xi32, #tpu.memory_space<vmem>> -> memref<96xi32, #tpu.memory_space<vmem>>
    %dma_start3A_133 = arith.constant 0 : i32
    %dma_start3A_134 = arith.constant 0 : i32
    %dma_start3A_135 = tpu.memref_slice %arg8[%dma_start3A_133, %dma_start3A_134] : memref<10240x64xf32, #tpu.memory_space<vmem_shared>> -> memref<10240x64xf32, #tpu.memory_space<vmem_shared>>
    tpu.enqueue_indirect_dma source(%dma_start3A_135 : memref<10240x64xf32, #tpu.memory_space<vmem_shared>>) target(%arg12 : memref<96x64xf32, #tpu.memory_space<vmem>>) offsets(%dma_start3A_132 : memref<96xi32, #tpu.memory_space<vmem>>) semaphore(%arg14 : memref<!tpu.dma_semaphore, #tpu.memory_space<semaphore_mem>>)
    %scan3A = arith.constant 0 : i32
    %scan3A_136 = arith.constant 1 : i32
    %scan3A_137 = arith.constant 33 : i32
    %scan3A_138 = arith.addi %scan3A_136, %scan3A_137 : i32
    %scan3A_139 = arith.constant 1 : i32
    scf.for %scan3A_222 = %scan3A_136 to %scan3A_138 step %scan3A_139  : i32 {
      %mul3A_223 = arith.constant 3 : i32
      %mul3A_224 = arith.muli %mul3A_223, %scan3A_222 : i32
      %add3A_225 = arith.constant 0 : i32
      %add3A_226 = arith.addi %mul3A_224, %add3A_225 : i32
      %dma_wait3A_227 = arith.constant 0 : i32
      %dma_wait3A_228 = arith.constant 0 : i32
      %dma_wait3A_229 = tpu.memref_slice %arg9[%dma_wait3A_227, %dma_wait3A_228] : memref<105x96xi32, #tpu.memory_space<vmem>> -> memref<1x96xi32, #tpu.memory_space<vmem>>
      %dma_wait3A_230 = tpu.memref_squeeze %dma_wait3A_229 : memref<1x96xi32, #tpu.memory_space<vmem>> -> memref<96xi32, #tpu.memory_space<vmem>>
      %dma_wait3A_231 = arith.constant 0 : i32
      %dma_wait3A_232 = arith.constant 0 : i32
      %dma_wait3A_233 = tpu.memref_slice %arg8[%dma_wait3A_231, %dma_wait3A_232] : memref<10240x64xf32, #tpu.memory_space<vmem_shared>> -> memref<10240x64xf32, #tpu.memory_space<vmem_shared>>
      tpu.wait_indirect_dma semaphore(%arg14 : memref<!tpu.dma_semaphore, #tpu.memory_space<semaphore_mem>>) src(%dma_wait3A_233 : memref<10240x64xf32, #tpu.memory_space<vmem_shared>>) dst(%arg11 : memref<96x64xf32, #tpu.memory_space<vmem>>)
      %dma_start3A_234 = arith.constant 0 : i32
      %dma_start3A_235 = tpu.memref_slice %arg10[%add3A_226, %dma_start3A_234] : memref<105x96xi32, #tpu.memory_space<vmem>> -> memref<1x96xi32, #tpu.memory_space<vmem>>
      %dma_start3A_236 = tpu.memref_squeeze %dma_start3A_235 : memref<1x96xi32, #tpu.memory_space<vmem>> -> memref<96xi32, #tpu.memory_space<vmem>>
      %dma_start3A_237 = arith.constant 0 : i32
      %dma_start3A_238 = arith.constant 0 : i32
      %dma_start3A_239 = tpu.memref_slice %arg7[%dma_start3A_237, %dma_start3A_238] : memref<10240x64xf32, #tpu.memory_space<vmem_shared>> -> memref<10240x64xf32, #tpu.memory_space<vmem_shared>>
      tpu.enqueue_indirect_dma source(%arg11 : memref<96x64xf32, #tpu.memory_space<vmem>>) target(%dma_start3A_239 : memref<10240x64xf32, #tpu.memory_space<vmem_shared>>) offsets(%dma_start3A_236 : memref<96xi32, #tpu.memory_space<vmem>>) semaphore(%arg15 : memref<!tpu.dma_semaphore, #tpu.memory_space<semaphore_mem>>) {add = true}
      %dma_wait3A_240 = arith.constant 0 : i32
      %dma_wait3A_241 = arith.constant 0 : i32
      %dma_wait3A_242 = tpu.memref_slice %arg10[%dma_wait3A_240, %dma_wait3A_241] : memref<105x96xi32, #tpu.memory_space<vmem>> -> memref<1x96xi32, #tpu.memory_space<vmem>>
      %dma_wait3A_243 = tpu.memref_squeeze %dma_wait3A_242 : memref<1x96xi32, #tpu.memory_space<vmem>> -> memref<96xi32, #tpu.memory_space<vmem>>
      %dma_wait3A_244 = arith.constant 0 : i32
      %dma_wait3A_245 = arith.constant 0 : i32
      %dma_wait3A_246 = tpu.memref_slice %arg7[%dma_wait3A_244, %dma_wait3A_245] : memref<10240x64xf32, #tpu.memory_space<vmem_shared>> -> memref<10240x64xf32, #tpu.memory_space<vmem_shared>>
      tpu.wait_indirect_dma semaphore(%arg15 : memref<!tpu.dma_semaphore, #tpu.memory_space<semaphore_mem>>) src(%arg11 : memref<96x64xf32, #tpu.memory_space<vmem>>) dst(%dma_wait3A_246 : memref<10240x64xf32, #tpu.memory_space<vmem_shared>>)
      %add3A_247 = arith.constant 2 : i32
      %add3A_248 = arith.addi %add3A_226, %add3A_247 : i32
      %dma_start3A_249 = arith.constant 0 : i32
      %dma_start3A_250 = tpu.memref_slice %arg9[%add3A_248, %dma_start3A_249] : memref<105x96xi32, #tpu.memory_space<vmem>> -> memref<1x96xi32, #tpu.memory_space<vmem>>
      %dma_start3A_251 = tpu.memref_squeeze %dma_start3A_250 : memref<1x96xi32, #tpu.memory_space<vmem>> -> memref<96xi32, #tpu.memory_space<vmem>>
      %dma_start3A_252 = arith.constant 0 : i32
      %dma_start3A_253 = arith.constant 0 : i32
      %dma_start3A_254 = tpu.memref_slice %arg8[%dma_start3A_252, %dma_start3A_253] : memref<10240x64xf32, #tpu.memory_space<vmem_shared>> -> memref<10240x64xf32, #tpu.memory_space<vmem_shared>>
      tpu.enqueue_indirect_dma source(%dma_start3A_254 : memref<10240x64xf32, #tpu.memory_space<vmem_shared>>) target(%arg13 : memref<96x64xf32, #tpu.memory_space<vmem>>) offsets(%dma_start3A_251 : memref<96xi32, #tpu.memory_space<vmem>>) semaphore(%arg14 : memref<!tpu.dma_semaphore, #tpu.memory_space<semaphore_mem>>)
      %mul3A_255 = arith.constant 3 : i32
      %mul3A_256 = arith.muli %mul3A_255, %scan3A_222 : i32
      %add3A_257 = arith.constant 1 : i32
      %add3A_258 = arith.addi %mul3A_256, %add3A_257 : i32
      %dma_wait3A_259 = arith.constant 0 : i32
      %dma_wait3A_260 = arith.constant 0 : i32
      %dma_wait3A_261 = tpu.memref_slice %arg9[%dma_wait3A_259, %dma_wait3A_260] : memref<105x96xi32, #tpu.memory_space<vmem>> -> memref<1x96xi32, #tpu.memory_space<vmem>>
      %dma_wait3A_262 = tpu.memref_squeeze %dma_wait3A_261 : memref<1x96xi32, #tpu.memory_space<vmem>> -> memref<96xi32, #tpu.memory_space<vmem>>
      %dma_wait3A_263 = arith.constant 0 : i32
      %dma_wait3A_264 = arith.constant 0 : i32
      %dma_wait3A_265 = tpu.memref_slice %arg8[%dma_wait3A_263, %dma_wait3A_264] : memref<10240x64xf32, #tpu.memory_space<vmem_shared>> -> memref<10240x64xf32, #tpu.memory_space<vmem_shared>>
      tpu.wait_indirect_dma semaphore(%arg14 : memref<!tpu.dma_semaphore, #tpu.memory_space<semaphore_mem>>) src(%dma_wait3A_265 : memref<10240x64xf32, #tpu.memory_space<vmem_shared>>) dst(%arg12 : memref<96x64xf32, #tpu.memory_space<vmem>>)
      %dma_start3A_266 = arith.constant 0 : i32
      %dma_start3A_267 = tpu.memref_slice %arg10[%add3A_258, %dma_start3A_266] : memref<105x96xi32, #tpu.memory_space<vmem>> -> memref<1x96xi32, #tpu.memory_space<vmem>>
      %dma_start3A_268 = tpu.memref_squeeze %dma_start3A_267 : memref<1x96xi32, #tpu.memory_space<vmem>> -> memref<96xi32, #tpu.memory_space<vmem>>
      %dma_start3A_269 = arith.constant 0 : i32
      %dma_start3A_270 = arith.constant 0 : i32
      %dma_start3A_271 = tpu.memref_slice %arg7[%dma_start3A_269, %dma_start3A_270] : memref<10240x64xf32, #tpu.memory_space<vmem_shared>> -> memref<10240x64xf32, #tpu.memory_space<vmem_shared>>
      tpu.enqueue_indirect_dma source(%arg12 : memref<96x64xf32, #tpu.memory_space<vmem>>) target(%dma_start3A_271 : memref<10240x64xf32, #tpu.memory_space<vmem_shared>>) offsets(%dma_start3A_268 : memref<96xi32, #tpu.memory_space<vmem>>) semaphore(%arg15 : memref<!tpu.dma_semaphore, #tpu.memory_space<semaphore_mem>>) {add = true}
      %dma_wait3A_272 = arith.constant 0 : i32
      %dma_wait3A_273 = arith.constant 0 : i32
      %dma_wait3A_274 = tpu.memref_slice %arg10[%dma_wait3A_272, %dma_wait3A_273] : memref<105x96xi32, #tpu.memory_space<vmem>> -> memref<1x96xi32, #tpu.memory_space<vmem>>
      %dma_wait3A_275 = tpu.memref_squeeze %dma_wait3A_274 : memref<1x96xi32, #tpu.memory_space<vmem>> -> memref<96xi32, #tpu.memory_space<vmem>>
      %dma_wait3A_276 = arith.constant 0 : i32
      %dma_wait3A_277 = arith.constant 0 : i32
      %dma_wait3A_278 = tpu.memref_slice %arg7[%dma_wait3A_276, %dma_wait3A_277] : memref<10240x64xf32, #tpu.memory_space<vmem_shared>> -> memref<10240x64xf32, #tpu.memory_space<vmem_shared>>
      tpu.wait_indirect_dma semaphore(%arg15 : memref<!tpu.dma_semaphore, #tpu.memory_space<semaphore_mem>>) src(%arg11 : memref<96x64xf32, #tpu.memory_space<vmem>>) dst(%dma_wait3A_278 : memref<10240x64xf32, #tpu.memory_space<vmem_shared>>)
      %add3A_279 = arith.constant 2 : i32
      %add3A_280 = arith.addi %add3A_258, %add3A_279 : i32
      %dma_start3A_281 = arith.constant 0 : i32
      %dma_start3A_282 = tpu.memref_slice %arg9[%add3A_280, %dma_start3A_281] : memref<105x96xi32, #tpu.memory_space<vmem>> -> memref<1x96xi32, #tpu.memory_space<vmem>>
      %dma_start3A_283 = tpu.memref_squeeze %dma_start3A_282 : memref<1x96xi32, #tpu.memory_space<vmem>> -> memref<96xi32, #tpu.memory_space<vmem>>
      %dma_start3A_284 = arith.constant 0 : i32
      %dma_start3A_285 = arith.constant 0 : i32
      %dma_start3A_286 = tpu.memref_slice %arg8[%dma_start3A_284, %dma_start3A_285] : memref<10240x64xf32, #tpu.memory_space<vmem_shared>> -> memref<10240x64xf32, #tpu.memory_space<vmem_shared>>
      tpu.enqueue_indirect_dma source(%dma_start3A_286 : memref<10240x64xf32, #tpu.memory_space<vmem_shared>>) target(%arg11 : memref<96x64xf32, #tpu.memory_space<vmem>>) offsets(%dma_start3A_283 : memref<96xi32, #tpu.memory_space<vmem>>) semaphore(%arg14 : memref<!tpu.dma_semaphore, #tpu.memory_space<semaphore_mem>>)
      %mul3A_287 = arith.constant 3 : i32
      %mul3A_288 = arith.muli %mul3A_287, %scan3A_222 : i32
      %add3A_289 = arith.constant 2 : i32
      %add3A_290 = arith.addi %mul3A_288, %add3A_289 : i32
      %dma_wait3A_291 = arith.constant 0 : i32
      %dma_wait3A_292 = arith.constant 0 : i32
      %dma_wait3A_293 = tpu.memref_slice %arg9[%dma_wait3A_291, %dma_wait3A_292] : memref<105x96xi32, #tpu.memory_space<vmem>> -> memref<1x96xi32, #tpu.memory_space<vmem>>
      %dma_wait3A_294 = tpu.memref_squeeze %dma_wait3A_293 : memref<1x96xi32, #tpu.memory_space<vmem>> -> memref<96xi32, #tpu.memory_space<vmem>>
      %dma_wait3A_295 = arith.constant 0 : i32
      %dma_wait3A_296 = arith.constant 0 : i32
      %dma_wait3A_297 = tpu.memref_slice %arg8[%dma_wait3A_295, %dma_wait3A_296] : memref<10240x64xf32, #tpu.memory_space<vmem_shared>> -> memref<10240x64xf32, #tpu.memory_space<vmem_shared>>
      tpu.wait_indirect_dma semaphore(%arg14 : memref<!tpu.dma_semaphore, #tpu.memory_space<semaphore_mem>>) src(%dma_wait3A_297 : memref<10240x64xf32, #tpu.memory_space<vmem_shared>>) dst(%arg13 : memref<96x64xf32, #tpu.memory_space<vmem>>)
      %dma_start3A_298 = arith.constant 0 : i32
      %dma_start3A_299 = tpu.memref_slice %arg10[%add3A_290, %dma_start3A_298] : memref<105x96xi32, #tpu.memory_space<vmem>> -> memref<1x96xi32, #tpu.memory_space<vmem>>
      %dma_start3A_300 = tpu.memref_squeeze %dma_start3A_299 : memref<1x96xi32, #tpu.memory_space<vmem>> -> memref<96xi32, #tpu.memory_space<vmem>>
      %dma_start3A_301 = arith.constant 0 : i32
      %dma_start3A_302 = arith.constant 0 : i32
      %dma_start3A_303 = tpu.memref_slice %arg7[%dma_start3A_301, %dma_start3A_302] : memref<10240x64xf32, #tpu.memory_space<vmem_shared>> -> memref<10240x64xf32, #tpu.memory_space<vmem_shared>>
      tpu.enqueue_indirect_dma source(%arg13 : memref<96x64xf32, #tpu.memory_space<vmem>>) target(%dma_start3A_303 : memref<10240x64xf32, #tpu.memory_space<vmem_shared>>) offsets(%dma_start3A_300 : memref<96xi32, #tpu.memory_space<vmem>>) semaphore(%arg15 : memref<!tpu.dma_semaphore, #tpu.memory_space<semaphore_mem>>) {add = true}
      %dma_wait3A_304 = arith.constant 0 : i32
      %dma_wait3A_305 = arith.constant 0 : i32
      %dma_wait3A_306 = tpu.memref_slice %arg10[%dma_wait3A_304, %dma_wait3A_305] : memref<105x96xi32, #tpu.memory_space<vmem>> -> memref<1x96xi32, #tpu.memory_space<vmem>>
      %dma_wait3A_307 = tpu.memref_squeeze %dma_wait3A_306 : memref<1x96xi32, #tpu.memory_space<vmem>> -> memref<96xi32, #tpu.memory_space<vmem>>
      %dma_wait3A_308 = arith.constant 0 : i32
      %dma_wait3A_309 = arith.constant 0 : i32
      %dma_wait3A_310 = tpu.memref_slice %arg7[%dma_wait3A_308, %dma_wait3A_309] : memref<10240x64xf32, #tpu.memory_space<vmem_shared>> -> memref<10240x64xf32, #tpu.memory_space<vmem_shared>>
      tpu.wait_indirect_dma semaphore(%arg15 : memref<!tpu.dma_semaphore, #tpu.memory_space<semaphore_mem>>) src(%arg11 : memref<96x64xf32, #tpu.memory_space<vmem>>) dst(%dma_wait3A_310 : memref<10240x64xf32, #tpu.memory_space<vmem_shared>>)
      %add3A_311 = arith.constant 2 : i32
      %add3A_312 = arith.addi %add3A_290, %add3A_311 : i32
      %dma_start3A_313 = arith.constant 0 : i32
      %dma_start3A_314 = tpu.memref_slice %arg9[%add3A_312, %dma_start3A_313] : memref<105x96xi32, #tpu.memory_space<vmem>> -> memref<1x96xi32, #tpu.memory_space<vmem>>
      %dma_start3A_315 = tpu.memref_squeeze %dma_start3A_314 : memref<1x96xi32, #tpu.memory_space<vmem>> -> memref<96xi32, #tpu.memory_space<vmem>>
      %dma_start3A_316 = arith.constant 0 : i32
      %dma_start3A_317 = arith.constant 0 : i32
      %dma_start3A_318 = tpu.memref_slice %arg8[%dma_start3A_316, %dma_start3A_317] : memref<10240x64xf32, #tpu.memory_space<vmem_shared>> -> memref<10240x64xf32, #tpu.memory_space<vmem_shared>>
      tpu.enqueue_indirect_dma source(%dma_start3A_318 : memref<10240x64xf32, #tpu.memory_space<vmem_shared>>) target(%arg12 : memref<96x64xf32, #tpu.memory_space<vmem>>) offsets(%dma_start3A_315 : memref<96xi32, #tpu.memory_space<vmem>>) semaphore(%arg14 : memref<!tpu.dma_semaphore, #tpu.memory_space<semaphore_mem>>)
    }
    %scan3A_140 = arith.constant 33 : i32
    %dma_wait3A_141 = arith.constant 0 : i32
    %dma_wait3A_142 = arith.constant 0 : i32
    %dma_wait3A_143 = tpu.memref_slice %arg9[%dma_wait3A_141, %dma_wait3A_142] : memref<105x96xi32, #tpu.memory_space<vmem>> -> memref<1x96xi32, #tpu.memory_space<vmem>>
    %dma_wait3A_144 = tpu.memref_squeeze %dma_wait3A_143 : memref<1x96xi32, #tpu.memory_space<vmem>> -> memref<96xi32, #tpu.memory_space<vmem>>
    %dma_wait3A_145 = arith.constant 0 : i32
    %dma_wait3A_146 = arith.constant 0 : i32
    %dma_wait3A_147 = tpu.memref_slice %arg8[%dma_wait3A_145, %dma_wait3A_146] : memref<10240x64xf32, #tpu.memory_space<vmem_shared>> -> memref<10240x64xf32, #tpu.memory_space<vmem_shared>>
    tpu.wait_indirect_dma semaphore(%arg14 : memref<!tpu.dma_semaphore, #tpu.memory_space<semaphore_mem>>) src(%dma_wait3A_147 : memref<10240x64xf32, #tpu.memory_space<vmem_shared>>) dst(%arg11 : memref<96x64xf32, #tpu.memory_space<vmem>>)
    %dma_start3A_148 = arith.constant 102 : i32
    %dma_start3A_149 = arith.constant 0 : i32
    %dma_start3A_150 = tpu.memref_slice %arg10[%dma_start3A_148, %dma_start3A_149] : memref<105x96xi32, #tpu.memory_space<vmem>> -> memref<1x96xi32, #tpu.memory_space<vmem>>
    %dma_start3A_151 = tpu.memref_squeeze %dma_start3A_150 : memref<1x96xi32, #tpu.memory_space<vmem>> -> memref<96xi32, #tpu.memory_space<vmem>>
    %dma_start3A_152 = arith.constant 0 : i32
    %dma_start3A_153 = arith.constant 0 : i32
    %dma_start3A_154 = tpu.memref_slice %arg7[%dma_start3A_152, %dma_start3A_153] : memref<10240x64xf32, #tpu.memory_space<vmem_shared>> -> memref<10240x64xf32, #tpu.memory_space<vmem_shared>>
    tpu.enqueue_indirect_dma source(%arg11 : memref<96x64xf32, #tpu.memory_space<vmem>>) target(%dma_start3A_154 : memref<10240x64xf32, #tpu.memory_space<vmem_shared>>) offsets(%dma_start3A_151 : memref<96xi32, #tpu.memory_space<vmem>>) semaphore(%arg15 : memref<!tpu.dma_semaphore, #tpu.memory_space<semaphore_mem>>) {add = true}
    %dma_wait3A_155 = arith.constant 0 : i32
    %dma_wait3A_156 = arith.constant 0 : i32
    %dma_wait3A_157 = tpu.memref_slice %arg10[%dma_wait3A_155, %dma_wait3A_156] : memref<105x96xi32, #tpu.memory_space<vmem>> -> memref<1x96xi32, #tpu.memory_space<vmem>>
    %dma_wait3A_158 = tpu.memref_squeeze %dma_wait3A_157 : memref<1x96xi32, #tpu.memory_space<vmem>> -> memref<96xi32, #tpu.memory_space<vmem>>
    %dma_wait3A_159 = arith.constant 0 : i32
    %dma_wait3A_160 = arith.constant 0 : i32
    %dma_wait3A_161 = tpu.memref_slice %arg7[%dma_wait3A_159, %dma_wait3A_160] : memref<10240x64xf32, #tpu.memory_space<vmem_shared>> -> memref<10240x64xf32, #tpu.memory_space<vmem_shared>>
    tpu.wait_indirect_dma semaphore(%arg15 : memref<!tpu.dma_semaphore, #tpu.memory_space<semaphore_mem>>) src(%arg11 : memref<96x64xf32, #tpu.memory_space<vmem>>) dst(%dma_wait3A_161 : memref<10240x64xf32, #tpu.memory_space<vmem_shared>>)
    %dma_start3A_162 = arith.constant 104 : i32
    %dma_start3A_163 = arith.constant 0 : i32
    %dma_start3A_164 = tpu.memref_slice %arg9[%dma_start3A_162, %dma_start3A_163] : memref<105x96xi32, #tpu.memory_space<vmem>> -> memref<1x96xi32, #tpu.memory_space<vmem>>
    %dma_start3A_165 = tpu.memref_squeeze %dma_start3A_164 : memref<1x96xi32, #tpu.memory_space<vmem>> -> memref<96xi32, #tpu.memory_space<vmem>>
    %dma_start3A_166 = arith.constant 0 : i32
    %dma_start3A_167 = arith.constant 0 : i32
    %dma_start3A_168 = tpu.memref_slice %arg8[%dma_start3A_166, %dma_start3A_167] : memref<10240x64xf32, #tpu.memory_space<vmem_shared>> -> memref<10240x64xf32, #tpu.memory_space<vmem_shared>>
    tpu.enqueue_indirect_dma source(%dma_start3A_168 : memref<10240x64xf32, #tpu.memory_space<vmem_shared>>) target(%arg13 : memref<96x64xf32, #tpu.memory_space<vmem>>) offsets(%dma_start3A_165 : memref<96xi32, #tpu.memory_space<vmem>>) semaphore(%arg14 : memref<!tpu.dma_semaphore, #tpu.memory_space<semaphore_mem>>)
    %dma_wait3A_169 = arith.constant 0 : i32
    %dma_wait3A_170 = arith.constant 0 : i32
    %dma_wait3A_171 = tpu.memref_slice %arg9[%dma_wait3A_169, %dma_wait3A_170] : memref<105x96xi32, #tpu.memory_space<vmem>> -> memref<1x96xi32, #tpu.memory_space<vmem>>
    %dma_wait3A_172 = tpu.memref_squeeze %dma_wait3A_171 : memref<1x96xi32, #tpu.memory_space<vmem>> -> memref<96xi32, #tpu.memory_space<vmem>>
    %dma_wait3A_173 = arith.constant 0 : i32
    %dma_wait3A_174 = arith.constant 0 : i32
    %dma_wait3A_175 = tpu.memref_slice %arg8[%dma_wait3A_173, %dma_wait3A_174] : memref<10240x64xf32, #tpu.memory_space<vmem_shared>> -> memref<10240x64xf32, #tpu.memory_space<vmem_shared>>
    tpu.wait_indirect_dma semaphore(%arg14 : memref<!tpu.dma_semaphore, #tpu.memory_space<semaphore_mem>>) src(%dma_wait3A_175 : memref<10240x64xf32, #tpu.memory_space<vmem_shared>>) dst(%arg12 : memref<96x64xf32, #tpu.memory_space<vmem>>)
    %dma_start3A_176 = arith.constant 103 : i32
    %dma_start3A_177 = arith.constant 0 : i32
    %dma_start3A_178 = tpu.memref_slice %arg10[%dma_start3A_176, %dma_start3A_177] : memref<105x96xi32, #tpu.memory_space<vmem>> -> memref<1x96xi32, #tpu.memory_space<vmem>>
    %dma_start3A_179 = tpu.memref_squeeze %dma_start3A_178 : memref<1x96xi32, #tpu.memory_space<vmem>> -> memref<96xi32, #tpu.memory_space<vmem>>
    %dma_start3A_180 = arith.constant 0 : i32
    %dma_start3A_181 = arith.constant 0 : i32
    %dma_start3A_182 = tpu.memref_slice %arg7[%dma_start3A_180, %dma_start3A_181] : memref<10240x64xf32, #tpu.memory_space<vmem_shared>> -> memref<10240x64xf32, #tpu.memory_space<vmem_shared>>
    tpu.enqueue_indirect_dma source(%arg12 : memref<96x64xf32, #tpu.memory_space<vmem>>) target(%dma_start3A_182 : memref<10240x64xf32, #tpu.memory_space<vmem_shared>>) offsets(%dma_start3A_179 : memref<96xi32, #tpu.memory_space<vmem>>) semaphore(%arg15 : memref<!tpu.dma_semaphore, #tpu.memory_space<semaphore_mem>>) {add = true}
    %dma_wait3A_183 = arith.constant 0 : i32
    %dma_wait3A_184 = arith.constant 0 : i32
    %dma_wait3A_185 = tpu.memref_slice %arg10[%dma_wait3A_183, %dma_wait3A_184] : memref<105x96xi32, #tpu.memory_space<vmem>> -> memref<1x96xi32, #tpu.memory_space<vmem>>
    %dma_wait3A_186 = tpu.memref_squeeze %dma_wait3A_185 : memref<1x96xi32, #tpu.memory_space<vmem>> -> memref<96xi32, #tpu.memory_space<vmem>>
    %dma_wait3A_187 = arith.constant 0 : i32
    %dma_wait3A_188 = arith.constant 0 : i32
    %dma_wait3A_189 = tpu.memref_slice %arg7[%dma_wait3A_187, %dma_wait3A_188] : memref<10240x64xf32, #tpu.memory_space<vmem_shared>> -> memref<10240x64xf32, #tpu.memory_space<vmem_shared>>
    tpu.wait_indirect_dma semaphore(%arg15 : memref<!tpu.dma_semaphore, #tpu.memory_space<semaphore_mem>>) src(%arg11 : memref<96x64xf32, #tpu.memory_space<vmem>>) dst(%dma_wait3A_189 : memref<10240x64xf32, #tpu.memory_space<vmem_shared>>)
    %dma_wait3A_190 = arith.constant 0 : i32
    %dma_wait3A_191 = arith.constant 0 : i32
    %dma_wait3A_192 = tpu.memref_slice %arg9[%dma_wait3A_190, %dma_wait3A_191] : memref<105x96xi32, #tpu.memory_space<vmem>> -> memref<1x96xi32, #tpu.memory_space<vmem>>
    %dma_wait3A_193 = tpu.memref_squeeze %dma_wait3A_192 : memref<1x96xi32, #tpu.memory_space<vmem>> -> memref<96xi32, #tpu.memory_space<vmem>>
    %dma_wait3A_194 = arith.constant 0 : i32
    %dma_wait3A_195 = arith.constant 0 : i32
    %dma_wait3A_196 = tpu.memref_slice %arg8[%dma_wait3A_194, %dma_wait3A_195] : memref<10240x64xf32, #tpu.memory_space<vmem_shared>> -> memref<10240x64xf32, #tpu.memory_space<vmem_shared>>
    tpu.wait_indirect_dma semaphore(%arg14 : memref<!tpu.dma_semaphore, #tpu.memory_space<semaphore_mem>>) src(%dma_wait3A_196 : memref<10240x64xf32, #tpu.memory_space<vmem_shared>>) dst(%arg13 : memref<96x64xf32, #tpu.memory_space<vmem>>)
    %dma_start3A_197 = arith.constant 104 : i32
    %dma_start3A_198 = arith.constant 0 : i32
    %dma_start3A_199 = tpu.memref_slice %arg10[%dma_start3A_197, %dma_start3A_198] : memref<105x96xi32, #tpu.memory_space<vmem>> -> memref<1x96xi32, #tpu.memory_space<vmem>>
    %dma_start3A_200 = tpu.memref_squeeze %dma_start3A_199 : memref<1x96xi32, #tpu.memory_space<vmem>> -> memref<96xi32, #tpu.memory_space<vmem>>
    %dma_start3A_201 = arith.constant 0 : i32
    %dma_start3A_202 = arith.constant 0 : i32
    %dma_start3A_203 = tpu.memref_slice %arg7[%dma_start3A_201, %dma_start3A_202] : memref<10240x64xf32, #tpu.memory_space<vmem_shared>> -> memref<10240x64xf32, #tpu.memory_space<vmem_shared>>
    tpu.enqueue_indirect_dma source(%arg13 : memref<96x64xf32, #tpu.memory_space<vmem>>) target(%dma_start3A_203 : memref<10240x64xf32, #tpu.memory_space<vmem_shared>>) offsets(%dma_start3A_200 : memref<96xi32, #tpu.memory_space<vmem>>) semaphore(%arg15 : memref<!tpu.dma_semaphore, #tpu.memory_space<semaphore_mem>>) {add = true}
    %dma_wait3A_204 = arith.constant 0 : i32
    %dma_wait3A_205 = arith.constant 0 : i32
    %dma_wait3A_206 = tpu.memref_slice %arg10[%dma_wait3A_204, %dma_wait3A_205] : memref<105x96xi32, #tpu.memory_space<vmem>> -> memref<1x96xi32, #tpu.memory_space<vmem>>
    %dma_wait3A_207 = tpu.memref_squeeze %dma_wait3A_206 : memref<1x96xi32, #tpu.memory_space<vmem>> -> memref<96xi32, #tpu.memory_space<vmem>>
    %dma_wait3A_208 = arith.constant 0 : i32
    %dma_wait3A_209 = arith.constant 0 : i32
    %dma_wait3A_210 = tpu.memref_slice %arg7[%dma_wait3A_208, %dma_wait3A_209] : memref<10240x64xf32, #tpu.memory_space<vmem_shared>> -> memref<10240x64xf32, #tpu.memory_space<vmem_shared>>
    tpu.wait_indirect_dma semaphore(%arg15 : memref<!tpu.dma_semaphore, #tpu.memory_space<semaphore_mem>>) src(%arg11 : memref<96x64xf32, #tpu.memory_space<vmem>>) dst(%dma_wait3A_210 : memref<10240x64xf32, #tpu.memory_space<vmem_shared>>)
    %dma_wait3A_211 = arith.constant 0 : i32
    %dma_wait3A_212 = arith.constant 0 : i32
    %dma_wait3A_213 = tpu.memref_slice %arg10[%dma_wait3A_211, %dma_wait3A_212] : memref<105x96xi32, #tpu.memory_space<vmem>> -> memref<1x96xi32, #tpu.memory_space<vmem>>
    %dma_wait3A_214 = tpu.memref_squeeze %dma_wait3A_213 : memref<1x96xi32, #tpu.memory_space<vmem>> -> memref<96xi32, #tpu.memory_space<vmem>>
    %dma_wait3A_215 = arith.constant 0 : i32
    %dma_wait3A_216 = arith.constant 0 : i32
    %dma_wait3A_217 = tpu.memref_slice %arg7[%dma_wait3A_215, %dma_wait3A_216] : memref<10240x64xf32, #tpu.memory_space<vmem_shared>> -> memref<10240x64xf32, #tpu.memory_space<vmem_shared>>
    tpu.wait_indirect_dma semaphore(%arg15 : memref<!tpu.dma_semaphore, #tpu.memory_space<semaphore_mem>>) src(%arg11 : memref<96x64xf32, #tpu.memory_space<vmem>>) dst(%dma_wait3A_217 : memref<10240x64xf32, #tpu.memory_space<vmem_shared>>)
    %barrier3A_218 = arith.constant 0 : index
    tpu.barrier barrier_id(%barrier3A_218)
    %mul3A_219 = arith.constant 10240 : i32
    %mul3A_220 = arith.muli %arg0, %mul3A_219 : i32
    %add3A_221 = arith.addi %mul3A_220, %mul3A_2 : i32
    "tpu.region"() ({
      %run_scoped3A = tpu.sem_alloc : memref<!tpu.dma_semaphore, #tpu.memory_space<semaphore_mem>>
      %dma_start3A_222 = arith.constant 0 : i32
      %dma_start3A_223 = tpu.memref_slice %arg6[%add3A_221, %dma_start3A_222] : memref<20480x64xf32, #tpu.memory_space<hbm>> -> memref<640x64xf32, #tpu.memory_space<hbm>>
      %dma_start3A_224 = arith.constant 0 : i32
      %dma_start3A_225 = tpu.memref_slice %arg7[%mul3A_2, %dma_start3A_224] : memref<10240x64xf32, #tpu.memory_space<vmem_shared>> -> memref<640x64xf32, #tpu.memory_space<vmem_shared>>
      tpu.enqueue_dma source(%dma_start3A_225 : memref<640x64xf32, #tpu.memory_space<vmem_shared>>) target(%dma_start3A_223 : memref<640x64xf32, #tpu.memory_space<hbm>>) target_semaphore(%run_scoped3A : memref<!tpu.dma_semaphore, #tpu.memory_space<semaphore_mem>>)
      %dma_wait3A_226 = arith.constant 0 : i32
      %dma_wait3A_227 = tpu.memref_slice %arg6[%add3A_221, %dma_wait3A_226] : memref<20480x64xf32, #tpu.memory_space<hbm>> -> memref<640x64xf32, #tpu.memory_space<hbm>>
      %dma_wait3A_228 = arith.constant 0 : i32
      %dma_wait3A_229 = tpu.memref_slice %arg7[%mul3A_2, %dma_wait3A_228] : memref<10240x64xf32, #tpu.memory_space<vmem_shared>> -> memref<640x64xf32, #tpu.memory_space<vmem_shared>>
      tpu.wait_dma2 semaphore(%run_scoped3A : memref<!tpu.dma_semaphore, #tpu.memory_space<semaphore_mem>>) src(%dma_wait3A_229 : memref<640x64xf32, #tpu.memory_space<vmem_shared>>) dst(%dma_wait3A_227 : memref<640x64xf32, #tpu.memory_space<hbm>>)
      tpu.yield
    }) : () -> ()
    return
  }
}

#map = affine_map<(d0, d1) -> (0, 0)>
#map1 = affine_map<(d0, d1) -> (0, 0, 0)>
#map2 = affine_map<(d0, d1) -> (0)>
module attributes {stable_mosaic.version = 14 : i64} {
  func.func @body(%arg0: i32, %arg1: i32, %arg2: memref<10240x64xf32, #tpu.memory_space<hbm>>, %arg3: memref<32x105x96xi32, #tpu.memory_space<hbm>>, %arg4: memref<32x105x96xi32, #tpu.memory_space<hbm>>, %arg5: memref<640x64xf32, #tpu.memory_space<hbm>>, %arg6: memref<640xf32, #tpu.memory_space<hbm>>, %arg7: memref<96xf32, #tpu.memory_space<hbm>>, %arg8: memref<20480x64xf32, #tpu.memory_space<hbm>>, %arg9: memref<20480xf32, #tpu.memory_space<hbm>>, %arg10: memref<10240x64xf32, #tpu.memory_space<vmem_shared>>, %arg11: memref<10240xf32, #tpu.memory_space<vmem_shared>>, %arg12: memref<10240x64xf32, #tpu.memory_space<vmem_shared>>, %arg13: memref<105x96xi32, #tpu.memory_space<vmem>>, %arg14: memref<105x96xi32, #tpu.memory_space<vmem>>, %arg15: memref<96x64xf32, #tpu.memory_space<vmem>>, %arg16: memref<96x64xf32, #tpu.memory_space<vmem>>, %arg17: memref<96x64xf32, #tpu.memory_space<vmem>>, %arg18: memref<96xf32, #tpu.memory_space<vmem>>, %arg19: memref<!tpu.dma_semaphore, #tpu.memory_space<semaphore_mem>>, %arg20: memref<!tpu.dma_semaphore, #tpu.memory_space<semaphore_mem>>, %arg21: memref<!tpu.dma_semaphore, #tpu.memory_space<semaphore_mem>>) attributes {dimension_semantics = [#tpu.dimension_semantics<core_parallel>, #tpu.dimension_semantics<subcore_parallel>], iteration_bounds = array<i64: 2, 16>, scalar_prefetch = 0 : i64, scratch_operands = 12 : i64, tpu.core_type = #tpu.core_type<sc_vector_subcore>, window_params = [{transform_indices = #map}, {transform_indices = #map1}, {transform_indices = #map1}, {transform_indices = #map}, {transform_indices = #map2}, {transform_indices = #map2}, {transform_indices = #map}, {transform_indices = #map2}]} {
    %mul3A = arith.constant 16 : i32
    %mul3A_0 = arith.muli %arg0, %mul3A : i32
    %add3A = arith.addi %mul3A_0, %arg1 : i32
    %mul3A_1 = arith.constant 640 : i32
    %mul3A_2 = arith.muli %arg1, %mul3A_1 : i32
    %dma_start3A = arith.constant 0 : i32
    %dma_start3A_3 = tpu.memref_slice %arg10[%mul3A_2, %dma_start3A] : memref<10240x64xf32, #tpu.memory_space<vmem_shared>> -> memref<640x64xf32, #tpu.memory_space<vmem_shared>>
    tpu.enqueue_dma source(%arg5 : memref<640x64xf32, #tpu.memory_space<hbm>>) target(%dma_start3A_3 : memref<640x64xf32, #tpu.memory_space<vmem_shared>>) target_semaphore(%arg20 : memref<!tpu.dma_semaphore, #tpu.memory_space<semaphore_mem>>)
    %dma_start3A_4 = arith.constant 0 : i32
    %dma_start3A_5 = tpu.memref_slice %arg12[%mul3A_2, %dma_start3A_4] : memref<10240x64xf32, #tpu.memory_space<vmem_shared>> -> memref<640x64xf32, #tpu.memory_space<vmem_shared>>
    %dma_start3A_6 = arith.constant 0 : i32
    %dma_start3A_7 = tpu.memref_slice %arg2[%mul3A_2, %dma_start3A_6] : memref<10240x64xf32, #tpu.memory_space<hbm>> -> memref<640x64xf32, #tpu.memory_space<hbm>>
    tpu.enqueue_dma source(%dma_start3A_7 : memref<640x64xf32, #tpu.memory_space<hbm>>) target(%dma_start3A_5 : memref<640x64xf32, #tpu.memory_space<vmem_shared>>) target_semaphore(%arg20 : memref<!tpu.dma_semaphore, #tpu.memory_space<semaphore_mem>>)
    %dma_start3A_8 = arith.constant 0 : i32
    %dma_start3A_9 = arith.constant 0 : i32
    %dma_start3A_10 = tpu.memref_slice %arg3[%add3A, %dma_start3A_8, %dma_start3A_9] : memref<32x105x96xi32, #tpu.memory_space<hbm>> -> memref<1x105x96xi32, #tpu.memory_space<hbm>>
    %dma_start3A_11 = tpu.memref_squeeze %dma_start3A_10 : memref<1x105x96xi32, #tpu.memory_space<hbm>> -> memref<105x96xi32, #tpu.memory_space<hbm>>
    %dma_start3A_12 = arith.constant 0 : i32
    %dma_start3A_13 = arith.constant 0 : i32
    %dma_start3A_14 = tpu.memref_slice %arg3[%add3A, %dma_start3A_12, %dma_start3A_13] : memref<32x105x96xi32, #tpu.memory_space<hbm>> -> memref<1x105x96xi32, #tpu.memory_space<hbm>>
    %dma_start3A_15 = tpu.memref_squeeze %dma_start3A_14 : memref<1x105x96xi32, #tpu.memory_space<hbm>> -> memref<105x96xi32, #tpu.memory_space<hbm>>
    tpu.enqueue_dma source(%dma_start3A_15 : memref<105x96xi32, #tpu.memory_space<hbm>>) target(%arg13 : memref<105x96xi32, #tpu.memory_space<vmem>>) target_semaphore(%arg20 : memref<!tpu.dma_semaphore, #tpu.memory_space<semaphore_mem>>)
    %dma_start3A_16 = arith.constant 0 : i32
    %dma_start3A_17 = arith.constant 0 : i32
    %dma_start3A_18 = tpu.memref_slice %arg4[%add3A, %dma_start3A_16, %dma_start3A_17] : memref<32x105x96xi32, #tpu.memory_space<hbm>> -> memref<1x105x96xi32, #tpu.memory_space<hbm>>
    %dma_start3A_19 = tpu.memref_squeeze %dma_start3A_18 : memref<1x105x96xi32, #tpu.memory_space<hbm>> -> memref<105x96xi32, #tpu.memory_space<hbm>>
    %dma_start3A_20 = arith.constant 0 : i32
    %dma_start3A_21 = arith.constant 0 : i32
    %dma_start3A_22 = tpu.memref_slice %arg4[%add3A, %dma_start3A_20, %dma_start3A_21] : memref<32x105x96xi32, #tpu.memory_space<hbm>> -> memref<1x105x96xi32, #tpu.memory_space<hbm>>
    %dma_start3A_23 = tpu.memref_squeeze %dma_start3A_22 : memref<1x105x96xi32, #tpu.memory_space<hbm>> -> memref<105x96xi32, #tpu.memory_space<hbm>>
    tpu.enqueue_dma source(%dma_start3A_23 : memref<105x96xi32, #tpu.memory_space<hbm>>) target(%arg14 : memref<105x96xi32, #tpu.memory_space<vmem>>) target_semaphore(%arg20 : memref<!tpu.dma_semaphore, #tpu.memory_space<semaphore_mem>>)
    %dma_start3A_24 = tpu.memref_slice %arg11[%mul3A_2] : memref<10240xf32, #tpu.memory_space<vmem_shared>> -> memref<640xf32, #tpu.memory_space<vmem_shared>>
    tpu.enqueue_dma source(%arg6 : memref<640xf32, #tpu.memory_space<hbm>>) target(%dma_start3A_24 : memref<640xf32, #tpu.memory_space<vmem_shared>>) target_semaphore(%arg20 : memref<!tpu.dma_semaphore, #tpu.memory_space<semaphore_mem>>)
    tpu.enqueue_dma source(%arg7 : memref<96xf32, #tpu.memory_space<hbm>>) target(%arg18 : memref<96xf32, #tpu.memory_space<vmem>>) target_semaphore(%arg20 : memref<!tpu.dma_semaphore, #tpu.memory_space<semaphore_mem>>)
    %dma_wait3A = arith.constant 0 : i32
    %dma_wait3A_25 = tpu.memref_slice %arg10[%mul3A_2, %dma_wait3A] : memref<10240x64xf32, #tpu.memory_space<vmem_shared>> -> memref<640x64xf32, #tpu.memory_space<vmem_shared>>
    tpu.wait_dma2 semaphore(%arg20 : memref<!tpu.dma_semaphore, #tpu.memory_space<semaphore_mem>>) src(%arg5 : memref<640x64xf32, #tpu.memory_space<hbm>>) dst(%dma_wait3A_25 : memref<640x64xf32, #tpu.memory_space<vmem_shared>>)
    %dma_wait3A_26 = arith.constant 0 : i32
    %dma_wait3A_27 = tpu.memref_slice %arg12[%mul3A_2, %dma_wait3A_26] : memref<10240x64xf32, #tpu.memory_space<vmem_shared>> -> memref<640x64xf32, #tpu.memory_space<vmem_shared>>
    %dma_wait3A_28 = arith.constant 0 : i32
    %dma_wait3A_29 = tpu.memref_slice %arg2[%mul3A_2, %dma_wait3A_28] : memref<10240x64xf32, #tpu.memory_space<hbm>> -> memref<640x64xf32, #tpu.memory_space<hbm>>
    tpu.wait_dma2 semaphore(%arg20 : memref<!tpu.dma_semaphore, #tpu.memory_space<semaphore_mem>>) src(%dma_wait3A_29 : memref<640x64xf32, #tpu.memory_space<hbm>>) dst(%dma_wait3A_27 : memref<640x64xf32, #tpu.memory_space<vmem_shared>>)
    %dma_wait3A_30 = arith.constant 0 : i32
    %dma_wait3A_31 = arith.constant 0 : i32
    %dma_wait3A_32 = tpu.memref_slice %arg3[%add3A, %dma_wait3A_30, %dma_wait3A_31] : memref<32x105x96xi32, #tpu.memory_space<hbm>> -> memref<1x105x96xi32, #tpu.memory_space<hbm>>
    %dma_wait3A_33 = tpu.memref_squeeze %dma_wait3A_32 : memref<1x105x96xi32, #tpu.memory_space<hbm>> -> memref<105x96xi32, #tpu.memory_space<hbm>>
    %dma_wait3A_34 = arith.constant 0 : i32
    %dma_wait3A_35 = arith.constant 0 : i32
    %dma_wait3A_36 = tpu.memref_slice %arg3[%add3A, %dma_wait3A_34, %dma_wait3A_35] : memref<32x105x96xi32, #tpu.memory_space<hbm>> -> memref<1x105x96xi32, #tpu.memory_space<hbm>>
    %dma_wait3A_37 = tpu.memref_squeeze %dma_wait3A_36 : memref<1x105x96xi32, #tpu.memory_space<hbm>> -> memref<105x96xi32, #tpu.memory_space<hbm>>
    tpu.wait_dma2 semaphore(%arg20 : memref<!tpu.dma_semaphore, #tpu.memory_space<semaphore_mem>>) src(%dma_wait3A_37 : memref<105x96xi32, #tpu.memory_space<hbm>>) dst(%arg13 : memref<105x96xi32, #tpu.memory_space<vmem>>)
    %dma_wait3A_38 = arith.constant 0 : i32
    %dma_wait3A_39 = arith.constant 0 : i32
    %dma_wait3A_40 = tpu.memref_slice %arg4[%add3A, %dma_wait3A_38, %dma_wait3A_39] : memref<32x105x96xi32, #tpu.memory_space<hbm>> -> memref<1x105x96xi32, #tpu.memory_space<hbm>>
    %dma_wait3A_41 = tpu.memref_squeeze %dma_wait3A_40 : memref<1x105x96xi32, #tpu.memory_space<hbm>> -> memref<105x96xi32, #tpu.memory_space<hbm>>
    %dma_wait3A_42 = arith.constant 0 : i32
    %dma_wait3A_43 = arith.constant 0 : i32
    %dma_wait3A_44 = tpu.memref_slice %arg4[%add3A, %dma_wait3A_42, %dma_wait3A_43] : memref<32x105x96xi32, #tpu.memory_space<hbm>> -> memref<1x105x96xi32, #tpu.memory_space<hbm>>
    %dma_wait3A_45 = tpu.memref_squeeze %dma_wait3A_44 : memref<1x105x96xi32, #tpu.memory_space<hbm>> -> memref<105x96xi32, #tpu.memory_space<hbm>>
    tpu.wait_dma2 semaphore(%arg20 : memref<!tpu.dma_semaphore, #tpu.memory_space<semaphore_mem>>) src(%dma_wait3A_45 : memref<105x96xi32, #tpu.memory_space<hbm>>) dst(%arg14 : memref<105x96xi32, #tpu.memory_space<vmem>>)
    %dma_wait3A_46 = tpu.memref_slice %arg11[%mul3A_2] : memref<10240xf32, #tpu.memory_space<vmem_shared>> -> memref<640xf32, #tpu.memory_space<vmem_shared>>
    tpu.wait_dma2 semaphore(%arg20 : memref<!tpu.dma_semaphore, #tpu.memory_space<semaphore_mem>>) src(%arg6 : memref<640xf32, #tpu.memory_space<hbm>>) dst(%dma_wait3A_46 : memref<640xf32, #tpu.memory_space<vmem_shared>>)
    tpu.wait_dma2 semaphore(%arg20 : memref<!tpu.dma_semaphore, #tpu.memory_space<semaphore_mem>>) src(%arg7 : memref<96xf32, #tpu.memory_space<hbm>>) dst(%arg18 : memref<96xf32, #tpu.memory_space<vmem>>)
    %barrier3A = arith.constant 0 : index
    tpu.barrier barrier_id(%barrier3A)
    %dma_start3A_47 = arith.constant 0 : i32
    %dma_start3A_48 = arith.constant 0 : i32
    %dma_start3A_49 = tpu.memref_slice %arg13[%dma_start3A_47, %dma_start3A_48] : memref<105x96xi32, #tpu.memory_space<vmem>> -> memref<1x96xi32, #tpu.memory_space<vmem>>
    %dma_start3A_50 = tpu.memref_squeeze %dma_start3A_49 : memref<1x96xi32, #tpu.memory_space<vmem>> -> memref<96xi32, #tpu.memory_space<vmem>>
    %dma_start3A_51 = arith.constant 0 : i32
    %dma_start3A_52 = arith.constant 0 : i32
    %dma_start3A_53 = tpu.memref_slice %arg12[%dma_start3A_51, %dma_start3A_52] : memref<10240x64xf32, #tpu.memory_space<vmem_shared>> -> memref<10240x64xf32, #tpu.memory_space<vmem_shared>>
    tpu.enqueue_indirect_dma source(%dma_start3A_53 : memref<10240x64xf32, #tpu.memory_space<vmem_shared>>) target(%arg15 : memref<96x64xf32, #tpu.memory_space<vmem>>) offsets(%dma_start3A_50 : memref<96xi32, #tpu.memory_space<vmem>>) semaphore(%arg19 : memref<!tpu.dma_semaphore, #tpu.memory_space<semaphore_mem>>)
    %dma_start3A_54 = arith.constant 1 : i32
    %dma_start3A_55 = arith.constant 0 : i32
    %dma_start3A_56 = tpu.memref_slice %arg13[%dma_start3A_54, %dma_start3A_55] : memref<105x96xi32, #tpu.memory_space<vmem>> -> memref<1x96xi32, #tpu.memory_space<vmem>>
    %dma_start3A_57 = tpu.memref_squeeze %dma_start3A_56 : memref<1x96xi32, #tpu.memory_space<vmem>> -> memref<96xi32, #tpu.memory_space<vmem>>
    %dma_start3A_58 = arith.constant 0 : i32
    %dma_start3A_59 = arith.constant 0 : i32
    %dma_start3A_60 = tpu.memref_slice %arg12[%dma_start3A_58, %dma_start3A_59] : memref<10240x64xf32, #tpu.memory_space<vmem_shared>> -> memref<10240x64xf32, #tpu.memory_space<vmem_shared>>
    tpu.enqueue_indirect_dma source(%dma_start3A_60 : memref<10240x64xf32, #tpu.memory_space<vmem_shared>>) target(%arg16 : memref<96x64xf32, #tpu.memory_space<vmem>>) offsets(%dma_start3A_57 : memref<96xi32, #tpu.memory_space<vmem>>) semaphore(%arg19 : memref<!tpu.dma_semaphore, #tpu.memory_space<semaphore_mem>>)
    %dma_wait3A_61 = arith.constant 0 : i32
    %dma_wait3A_62 = arith.constant 0 : i32
    %dma_wait3A_63 = tpu.memref_slice %arg13[%dma_wait3A_61, %dma_wait3A_62] : memref<105x96xi32, #tpu.memory_space<vmem>> -> memref<1x96xi32, #tpu.memory_space<vmem>>
    %dma_wait3A_64 = tpu.memref_squeeze %dma_wait3A_63 : memref<1x96xi32, #tpu.memory_space<vmem>> -> memref<96xi32, #tpu.memory_space<vmem>>
    %dma_wait3A_65 = arith.constant 0 : i32
    %dma_wait3A_66 = arith.constant 0 : i32
    %dma_wait3A_67 = tpu.memref_slice %arg12[%dma_wait3A_65, %dma_wait3A_66] : memref<10240x64xf32, #tpu.memory_space<vmem_shared>> -> memref<10240x64xf32, #tpu.memory_space<vmem_shared>>
    tpu.wait_indirect_dma semaphore(%arg19 : memref<!tpu.dma_semaphore, #tpu.memory_space<semaphore_mem>>) src(%dma_wait3A_67 : memref<10240x64xf32, #tpu.memory_space<vmem_shared>>) dst(%arg15 : memref<96x64xf32, #tpu.memory_space<vmem>>)
    %dma_start3A_68 = arith.constant 0 : i32
    %dma_start3A_69 = arith.constant 0 : i32
    %dma_start3A_70 = tpu.memref_slice %arg14[%dma_start3A_68, %dma_start3A_69] : memref<105x96xi32, #tpu.memory_space<vmem>> -> memref<1x96xi32, #tpu.memory_space<vmem>>
    %dma_start3A_71 = tpu.memref_squeeze %dma_start3A_70 : memref<1x96xi32, #tpu.memory_space<vmem>> -> memref<96xi32, #tpu.memory_space<vmem>>
    %dma_start3A_72 = arith.constant 0 : i32
    %dma_start3A_73 = tpu.memref_slice %arg11[%dma_start3A_72] : memref<10240xf32, #tpu.memory_space<vmem_shared>> -> memref<10240xf32, #tpu.memory_space<vmem_shared>>
    tpu.enqueue_indirect_dma source(%arg18 : memref<96xf32, #tpu.memory_space<vmem>>) target(%dma_start3A_73 : memref<10240xf32, #tpu.memory_space<vmem_shared>>) offsets(%dma_start3A_71 : memref<96xi32, #tpu.memory_space<vmem>>) semaphore(%arg21 : memref<!tpu.dma_semaphore, #tpu.memory_space<semaphore_mem>>) {add = true}
    %dma_start3A_74 = arith.constant 0 : i32
    %dma_start3A_75 = arith.constant 0 : i32
    %dma_start3A_76 = tpu.memref_slice %arg14[%dma_start3A_74, %dma_start3A_75] : memref<105x96xi32, #tpu.memory_space<vmem>> -> memref<1x96xi32, #tpu.memory_space<vmem>>
    %dma_start3A_77 = tpu.memref_squeeze %dma_start3A_76 : memref<1x96xi32, #tpu.memory_space<vmem>> -> memref<96xi32, #tpu.memory_space<vmem>>
    %dma_start3A_78 = arith.constant 0 : i32
    %dma_start3A_79 = arith.constant 0 : i32
    %dma_start3A_80 = tpu.memref_slice %arg10[%dma_start3A_78, %dma_start3A_79] : memref<10240x64xf32, #tpu.memory_space<vmem_shared>> -> memref<10240x64xf32, #tpu.memory_space<vmem_shared>>
    tpu.enqueue_indirect_dma source(%arg15 : memref<96x64xf32, #tpu.memory_space<vmem>>) target(%dma_start3A_80 : memref<10240x64xf32, #tpu.memory_space<vmem_shared>>) offsets(%dma_start3A_77 : memref<96xi32, #tpu.memory_space<vmem>>) semaphore(%arg20 : memref<!tpu.dma_semaphore, #tpu.memory_space<semaphore_mem>>) {add = true}
    %dma_start3A_81 = arith.constant 2 : i32
    %dma_start3A_82 = arith.constant 0 : i32
    %dma_start3A_83 = tpu.memref_slice %arg13[%dma_start3A_81, %dma_start3A_82] : memref<105x96xi32, #tpu.memory_space<vmem>> -> memref<1x96xi32, #tpu.memory_space<vmem>>
    %dma_start3A_84 = tpu.memref_squeeze %dma_start3A_83 : memref<1x96xi32, #tpu.memory_space<vmem>> -> memref<96xi32, #tpu.memory_space<vmem>>
    %dma_start3A_85 = arith.constant 0 : i32
    %dma_start3A_86 = arith.constant 0 : i32
    %dma_start3A_87 = tpu.memref_slice %arg12[%dma_start3A_85, %dma_start3A_86] : memref<10240x64xf32, #tpu.memory_space<vmem_shared>> -> memref<10240x64xf32, #tpu.memory_space<vmem_shared>>
    tpu.enqueue_indirect_dma source(%dma_start3A_87 : memref<10240x64xf32, #tpu.memory_space<vmem_shared>>) target(%arg17 : memref<96x64xf32, #tpu.memory_space<vmem>>) offsets(%dma_start3A_84 : memref<96xi32, #tpu.memory_space<vmem>>) semaphore(%arg19 : memref<!tpu.dma_semaphore, #tpu.memory_space<semaphore_mem>>)
    %dma_wait3A_88 = arith.constant 0 : i32
    %dma_wait3A_89 = arith.constant 0 : i32
    %dma_wait3A_90 = tpu.memref_slice %arg13[%dma_wait3A_88, %dma_wait3A_89] : memref<105x96xi32, #tpu.memory_space<vmem>> -> memref<1x96xi32, #tpu.memory_space<vmem>>
    %dma_wait3A_91 = tpu.memref_squeeze %dma_wait3A_90 : memref<1x96xi32, #tpu.memory_space<vmem>> -> memref<96xi32, #tpu.memory_space<vmem>>
    %dma_wait3A_92 = arith.constant 0 : i32
    %dma_wait3A_93 = arith.constant 0 : i32
    %dma_wait3A_94 = tpu.memref_slice %arg12[%dma_wait3A_92, %dma_wait3A_93] : memref<10240x64xf32, #tpu.memory_space<vmem_shared>> -> memref<10240x64xf32, #tpu.memory_space<vmem_shared>>
    tpu.wait_indirect_dma semaphore(%arg19 : memref<!tpu.dma_semaphore, #tpu.memory_space<semaphore_mem>>) src(%dma_wait3A_94 : memref<10240x64xf32, #tpu.memory_space<vmem_shared>>) dst(%arg16 : memref<96x64xf32, #tpu.memory_space<vmem>>)
    %dma_start3A_95 = arith.constant 1 : i32
    %dma_start3A_96 = arith.constant 0 : i32
    %dma_start3A_97 = tpu.memref_slice %arg14[%dma_start3A_95, %dma_start3A_96] : memref<105x96xi32, #tpu.memory_space<vmem>> -> memref<1x96xi32, #tpu.memory_space<vmem>>
    %dma_start3A_98 = tpu.memref_squeeze %dma_start3A_97 : memref<1x96xi32, #tpu.memory_space<vmem>> -> memref<96xi32, #tpu.memory_space<vmem>>
    %dma_start3A_99 = arith.constant 0 : i32
    %dma_start3A_100 = tpu.memref_slice %arg11[%dma_start3A_99] : memref<10240xf32, #tpu.memory_space<vmem_shared>> -> memref<10240xf32, #tpu.memory_space<vmem_shared>>
    tpu.enqueue_indirect_dma source(%arg18 : memref<96xf32, #tpu.memory_space<vmem>>) target(%dma_start3A_100 : memref<10240xf32, #tpu.memory_space<vmem_shared>>) offsets(%dma_start3A_98 : memref<96xi32, #tpu.memory_space<vmem>>) semaphore(%arg21 : memref<!tpu.dma_semaphore, #tpu.memory_space<semaphore_mem>>) {add = true}
    %dma_start3A_101 = arith.constant 1 : i32
    %dma_start3A_102 = arith.constant 0 : i32
    %dma_start3A_103 = tpu.memref_slice %arg14[%dma_start3A_101, %dma_start3A_102] : memref<105x96xi32, #tpu.memory_space<vmem>> -> memref<1x96xi32, #tpu.memory_space<vmem>>
    %dma_start3A_104 = tpu.memref_squeeze %dma_start3A_103 : memref<1x96xi32, #tpu.memory_space<vmem>> -> memref<96xi32, #tpu.memory_space<vmem>>
    %dma_start3A_105 = arith.constant 0 : i32
    %dma_start3A_106 = arith.constant 0 : i32
    %dma_start3A_107 = tpu.memref_slice %arg10[%dma_start3A_105, %dma_start3A_106] : memref<10240x64xf32, #tpu.memory_space<vmem_shared>> -> memref<10240x64xf32, #tpu.memory_space<vmem_shared>>
    tpu.enqueue_indirect_dma source(%arg16 : memref<96x64xf32, #tpu.memory_space<vmem>>) target(%dma_start3A_107 : memref<10240x64xf32, #tpu.memory_space<vmem_shared>>) offsets(%dma_start3A_104 : memref<96xi32, #tpu.memory_space<vmem>>) semaphore(%arg20 : memref<!tpu.dma_semaphore, #tpu.memory_space<semaphore_mem>>) {add = true}
    %dma_wait3A_108 = arith.constant 0 : i32
    %dma_wait3A_109 = arith.constant 0 : i32
    %dma_wait3A_110 = tpu.memref_slice %arg14[%dma_wait3A_108, %dma_wait3A_109] : memref<105x96xi32, #tpu.memory_space<vmem>> -> memref<1x96xi32, #tpu.memory_space<vmem>>
    %dma_wait3A_111 = tpu.memref_squeeze %dma_wait3A_110 : memref<1x96xi32, #tpu.memory_space<vmem>> -> memref<96xi32, #tpu.memory_space<vmem>>
    %dma_wait3A_112 = arith.constant 0 : i32
    %dma_wait3A_113 = arith.constant 0 : i32
    %dma_wait3A_114 = tpu.memref_slice %arg10[%dma_wait3A_112, %dma_wait3A_113] : memref<10240x64xf32, #tpu.memory_space<vmem_shared>> -> memref<10240x64xf32, #tpu.memory_space<vmem_shared>>
    tpu.wait_indirect_dma semaphore(%arg20 : memref<!tpu.dma_semaphore, #tpu.memory_space<semaphore_mem>>) src(%arg15 : memref<96x64xf32, #tpu.memory_space<vmem>>) dst(%dma_wait3A_114 : memref<10240x64xf32, #tpu.memory_space<vmem_shared>>)
    %dma_start3A_115 = arith.constant 3 : i32
    %dma_start3A_116 = arith.constant 0 : i32
    %dma_start3A_117 = tpu.memref_slice %arg13[%dma_start3A_115, %dma_start3A_116] : memref<105x96xi32, #tpu.memory_space<vmem>> -> memref<1x96xi32, #tpu.memory_space<vmem>>
    %dma_start3A_118 = tpu.memref_squeeze %dma_start3A_117 : memref<1x96xi32, #tpu.memory_space<vmem>> -> memref<96xi32, #tpu.memory_space<vmem>>
    %dma_start3A_119 = arith.constant 0 : i32
    %dma_start3A_120 = arith.constant 0 : i32
    %dma_start3A_121 = tpu.memref_slice %arg12[%dma_start3A_119, %dma_start3A_120] : memref<10240x64xf32, #tpu.memory_space<vmem_shared>> -> memref<10240x64xf32, #tpu.memory_space<vmem_shared>>
    tpu.enqueue_indirect_dma source(%dma_start3A_121 : memref<10240x64xf32, #tpu.memory_space<vmem_shared>>) target(%arg15 : memref<96x64xf32, #tpu.memory_space<vmem>>) offsets(%dma_start3A_118 : memref<96xi32, #tpu.memory_space<vmem>>) semaphore(%arg19 : memref<!tpu.dma_semaphore, #tpu.memory_space<semaphore_mem>>)
    %dma_wait3A_122 = arith.constant 0 : i32
    %dma_wait3A_123 = arith.constant 0 : i32
    %dma_wait3A_124 = tpu.memref_slice %arg13[%dma_wait3A_122, %dma_wait3A_123] : memref<105x96xi32, #tpu.memory_space<vmem>> -> memref<1x96xi32, #tpu.memory_space<vmem>>
    %dma_wait3A_125 = tpu.memref_squeeze %dma_wait3A_124 : memref<1x96xi32, #tpu.memory_space<vmem>> -> memref<96xi32, #tpu.memory_space<vmem>>
    %dma_wait3A_126 = arith.constant 0 : i32
    %dma_wait3A_127 = arith.constant 0 : i32
    %dma_wait3A_128 = tpu.memref_slice %arg12[%dma_wait3A_126, %dma_wait3A_127] : memref<10240x64xf32, #tpu.memory_space<vmem_shared>> -> memref<10240x64xf32, #tpu.memory_space<vmem_shared>>
    tpu.wait_indirect_dma semaphore(%arg19 : memref<!tpu.dma_semaphore, #tpu.memory_space<semaphore_mem>>) src(%dma_wait3A_128 : memref<10240x64xf32, #tpu.memory_space<vmem_shared>>) dst(%arg17 : memref<96x64xf32, #tpu.memory_space<vmem>>)
    %dma_start3A_129 = arith.constant 2 : i32
    %dma_start3A_130 = arith.constant 0 : i32
    %dma_start3A_131 = tpu.memref_slice %arg14[%dma_start3A_129, %dma_start3A_130] : memref<105x96xi32, #tpu.memory_space<vmem>> -> memref<1x96xi32, #tpu.memory_space<vmem>>
    %dma_start3A_132 = tpu.memref_squeeze %dma_start3A_131 : memref<1x96xi32, #tpu.memory_space<vmem>> -> memref<96xi32, #tpu.memory_space<vmem>>
    %dma_start3A_133 = arith.constant 0 : i32
    %dma_start3A_134 = tpu.memref_slice %arg11[%dma_start3A_133] : memref<10240xf32, #tpu.memory_space<vmem_shared>> -> memref<10240xf32, #tpu.memory_space<vmem_shared>>
    tpu.enqueue_indirect_dma source(%arg18 : memref<96xf32, #tpu.memory_space<vmem>>) target(%dma_start3A_134 : memref<10240xf32, #tpu.memory_space<vmem_shared>>) offsets(%dma_start3A_132 : memref<96xi32, #tpu.memory_space<vmem>>) semaphore(%arg21 : memref<!tpu.dma_semaphore, #tpu.memory_space<semaphore_mem>>) {add = true}
    %dma_start3A_135 = arith.constant 2 : i32
    %dma_start3A_136 = arith.constant 0 : i32
    %dma_start3A_137 = tpu.memref_slice %arg14[%dma_start3A_135, %dma_start3A_136] : memref<105x96xi32, #tpu.memory_space<vmem>> -> memref<1x96xi32, #tpu.memory_space<vmem>>
    %dma_start3A_138 = tpu.memref_squeeze %dma_start3A_137 : memref<1x96xi32, #tpu.memory_space<vmem>> -> memref<96xi32, #tpu.memory_space<vmem>>
    %dma_start3A_139 = arith.constant 0 : i32
    %dma_start3A_140 = arith.constant 0 : i32
    %dma_start3A_141 = tpu.memref_slice %arg10[%dma_start3A_139, %dma_start3A_140] : memref<10240x64xf32, #tpu.memory_space<vmem_shared>> -> memref<10240x64xf32, #tpu.memory_space<vmem_shared>>
    tpu.enqueue_indirect_dma source(%arg17 : memref<96x64xf32, #tpu.memory_space<vmem>>) target(%dma_start3A_141 : memref<10240x64xf32, #tpu.memory_space<vmem_shared>>) offsets(%dma_start3A_138 : memref<96xi32, #tpu.memory_space<vmem>>) semaphore(%arg20 : memref<!tpu.dma_semaphore, #tpu.memory_space<semaphore_mem>>) {add = true}
    %dma_wait3A_142 = arith.constant 0 : i32
    %dma_wait3A_143 = arith.constant 0 : i32
    %dma_wait3A_144 = tpu.memref_slice %arg14[%dma_wait3A_142, %dma_wait3A_143] : memref<105x96xi32, #tpu.memory_space<vmem>> -> memref<1x96xi32, #tpu.memory_space<vmem>>
    %dma_wait3A_145 = tpu.memref_squeeze %dma_wait3A_144 : memref<1x96xi32, #tpu.memory_space<vmem>> -> memref<96xi32, #tpu.memory_space<vmem>>
    %dma_wait3A_146 = arith.constant 0 : i32
    %dma_wait3A_147 = arith.constant 0 : i32
    %dma_wait3A_148 = tpu.memref_slice %arg10[%dma_wait3A_146, %dma_wait3A_147] : memref<10240x64xf32, #tpu.memory_space<vmem_shared>> -> memref<10240x64xf32, #tpu.memory_space<vmem_shared>>
    tpu.wait_indirect_dma semaphore(%arg20 : memref<!tpu.dma_semaphore, #tpu.memory_space<semaphore_mem>>) src(%arg15 : memref<96x64xf32, #tpu.memory_space<vmem>>) dst(%dma_wait3A_148 : memref<10240x64xf32, #tpu.memory_space<vmem_shared>>)
    %dma_start3A_149 = arith.constant 4 : i32
    %dma_start3A_150 = arith.constant 0 : i32
    %dma_start3A_151 = tpu.memref_slice %arg13[%dma_start3A_149, %dma_start3A_150] : memref<105x96xi32, #tpu.memory_space<vmem>> -> memref<1x96xi32, #tpu.memory_space<vmem>>
    %dma_start3A_152 = tpu.memref_squeeze %dma_start3A_151 : memref<1x96xi32, #tpu.memory_space<vmem>> -> memref<96xi32, #tpu.memory_space<vmem>>
    %dma_start3A_153 = arith.constant 0 : i32
    %dma_start3A_154 = arith.constant 0 : i32
    %dma_start3A_155 = tpu.memref_slice %arg12[%dma_start3A_153, %dma_start3A_154] : memref<10240x64xf32, #tpu.memory_space<vmem_shared>> -> memref<10240x64xf32, #tpu.memory_space<vmem_shared>>
    tpu.enqueue_indirect_dma source(%dma_start3A_155 : memref<10240x64xf32, #tpu.memory_space<vmem_shared>>) target(%arg16 : memref<96x64xf32, #tpu.memory_space<vmem>>) offsets(%dma_start3A_152 : memref<96xi32, #tpu.memory_space<vmem>>) semaphore(%arg19 : memref<!tpu.dma_semaphore, #tpu.memory_space<semaphore_mem>>)
    %scan3A = arith.constant 0 : i32
    %scan3A_156 = arith.constant 1 : i32
    %scan3A_157 = arith.constant 33 : i32
    %scan3A_158 = arith.addi %scan3A_156, %scan3A_157 : i32
    %scan3A_159 = arith.constant 1 : i32
    scf.for %scan3A_266 = %scan3A_156 to %scan3A_158 step %scan3A_159  : i32 {
      %mul3A_267 = arith.constant 3 : i32
      %mul3A_268 = arith.muli %mul3A_267, %scan3A_266 : i32
      %add3A_269 = arith.constant 0 : i32
      %add3A_270 = arith.addi %mul3A_268, %add3A_269 : i32
      %dma_wait3A_271 = arith.constant 0 : i32
      %dma_wait3A_272 = arith.constant 0 : i32
      %dma_wait3A_273 = tpu.memref_slice %arg13[%dma_wait3A_271, %dma_wait3A_272] : memref<105x96xi32, #tpu.memory_space<vmem>> -> memref<1x96xi32, #tpu.memory_space<vmem>>
      %dma_wait3A_274 = tpu.memref_squeeze %dma_wait3A_273 : memref<1x96xi32, #tpu.memory_space<vmem>> -> memref<96xi32, #tpu.memory_space<vmem>>
      %dma_wait3A_275 = arith.constant 0 : i32
      %dma_wait3A_276 = arith.constant 0 : i32
      %dma_wait3A_277 = tpu.memref_slice %arg12[%dma_wait3A_275, %dma_wait3A_276] : memref<10240x64xf32, #tpu.memory_space<vmem_shared>> -> memref<10240x64xf32, #tpu.memory_space<vmem_shared>>
      tpu.wait_indirect_dma semaphore(%arg19 : memref<!tpu.dma_semaphore, #tpu.memory_space<semaphore_mem>>) src(%dma_wait3A_277 : memref<10240x64xf32, #tpu.memory_space<vmem_shared>>) dst(%arg15 : memref<96x64xf32, #tpu.memory_space<vmem>>)
      %dma_start3A_278 = arith.constant 0 : i32
      %dma_start3A_279 = tpu.memref_slice %arg14[%add3A_270, %dma_start3A_278] : memref<105x96xi32, #tpu.memory_space<vmem>> -> memref<1x96xi32, #tpu.memory_space<vmem>>
      %dma_start3A_280 = tpu.memref_squeeze %dma_start3A_279 : memref<1x96xi32, #tpu.memory_space<vmem>> -> memref<96xi32, #tpu.memory_space<vmem>>
      %dma_start3A_281 = arith.constant 0 : i32
      %dma_start3A_282 = tpu.memref_slice %arg11[%dma_start3A_281] : memref<10240xf32, #tpu.memory_space<vmem_shared>> -> memref<10240xf32, #tpu.memory_space<vmem_shared>>
      tpu.enqueue_indirect_dma source(%arg18 : memref<96xf32, #tpu.memory_space<vmem>>) target(%dma_start3A_282 : memref<10240xf32, #tpu.memory_space<vmem_shared>>) offsets(%dma_start3A_280 : memref<96xi32, #tpu.memory_space<vmem>>) semaphore(%arg21 : memref<!tpu.dma_semaphore, #tpu.memory_space<semaphore_mem>>) {add = true}
      %dma_start3A_283 = arith.constant 0 : i32
      %dma_start3A_284 = tpu.memref_slice %arg14[%add3A_270, %dma_start3A_283] : memref<105x96xi32, #tpu.memory_space<vmem>> -> memref<1x96xi32, #tpu.memory_space<vmem>>
      %dma_start3A_285 = tpu.memref_squeeze %dma_start3A_284 : memref<1x96xi32, #tpu.memory_space<vmem>> -> memref<96xi32, #tpu.memory_space<vmem>>
      %dma_start3A_286 = arith.constant 0 : i32
      %dma_start3A_287 = arith.constant 0 : i32
      %dma_start3A_288 = tpu.memref_slice %arg10[%dma_start3A_286, %dma_start3A_287] : memref<10240x64xf32, #tpu.memory_space<vmem_shared>> -> memref<10240x64xf32, #tpu.memory_space<vmem_shared>>
      tpu.enqueue_indirect_dma source(%arg15 : memref<96x64xf32, #tpu.memory_space<vmem>>) target(%dma_start3A_288 : memref<10240x64xf32, #tpu.memory_space<vmem_shared>>) offsets(%dma_start3A_285 : memref<96xi32, #tpu.memory_space<vmem>>) semaphore(%arg20 : memref<!tpu.dma_semaphore, #tpu.memory_space<semaphore_mem>>) {add = true}
      %dma_wait3A_289 = arith.constant 0 : i32
      %dma_wait3A_290 = arith.constant 0 : i32
      %dma_wait3A_291 = tpu.memref_slice %arg14[%dma_wait3A_289, %dma_wait3A_290] : memref<105x96xi32, #tpu.memory_space<vmem>> -> memref<1x96xi32, #tpu.memory_space<vmem>>
      %dma_wait3A_292 = tpu.memref_squeeze %dma_wait3A_291 : memref<1x96xi32, #tpu.memory_space<vmem>> -> memref<96xi32, #tpu.memory_space<vmem>>
      %dma_wait3A_293 = arith.constant 0 : i32
      %dma_wait3A_294 = arith.constant 0 : i32
      %dma_wait3A_295 = tpu.memref_slice %arg10[%dma_wait3A_293, %dma_wait3A_294] : memref<10240x64xf32, #tpu.memory_space<vmem_shared>> -> memref<10240x64xf32, #tpu.memory_space<vmem_shared>>
      tpu.wait_indirect_dma semaphore(%arg20 : memref<!tpu.dma_semaphore, #tpu.memory_space<semaphore_mem>>) src(%arg15 : memref<96x64xf32, #tpu.memory_space<vmem>>) dst(%dma_wait3A_295 : memref<10240x64xf32, #tpu.memory_space<vmem_shared>>)
      %add3A_296 = arith.constant 2 : i32
      %add3A_297 = arith.addi %add3A_270, %add3A_296 : i32
      %dma_start3A_298 = arith.constant 0 : i32
      %dma_start3A_299 = tpu.memref_slice %arg13[%add3A_297, %dma_start3A_298] : memref<105x96xi32, #tpu.memory_space<vmem>> -> memref<1x96xi32, #tpu.memory_space<vmem>>
      %dma_start3A_300 = tpu.memref_squeeze %dma_start3A_299 : memref<1x96xi32, #tpu.memory_space<vmem>> -> memref<96xi32, #tpu.memory_space<vmem>>
      %dma_start3A_301 = arith.constant 0 : i32
      %dma_start3A_302 = arith.constant 0 : i32
      %dma_start3A_303 = tpu.memref_slice %arg12[%dma_start3A_301, %dma_start3A_302] : memref<10240x64xf32, #tpu.memory_space<vmem_shared>> -> memref<10240x64xf32, #tpu.memory_space<vmem_shared>>
      tpu.enqueue_indirect_dma source(%dma_start3A_303 : memref<10240x64xf32, #tpu.memory_space<vmem_shared>>) target(%arg17 : memref<96x64xf32, #tpu.memory_space<vmem>>) offsets(%dma_start3A_300 : memref<96xi32, #tpu.memory_space<vmem>>) semaphore(%arg19 : memref<!tpu.dma_semaphore, #tpu.memory_space<semaphore_mem>>)
      %mul3A_304 = arith.constant 3 : i32
      %mul3A_305 = arith.muli %mul3A_304, %scan3A_266 : i32
      %add3A_306 = arith.constant 1 : i32
      %add3A_307 = arith.addi %mul3A_305, %add3A_306 : i32
      %dma_wait3A_308 = arith.constant 0 : i32
      %dma_wait3A_309 = arith.constant 0 : i32
      %dma_wait3A_310 = tpu.memref_slice %arg13[%dma_wait3A_308, %dma_wait3A_309] : memref<105x96xi32, #tpu.memory_space<vmem>> -> memref<1x96xi32, #tpu.memory_space<vmem>>
      %dma_wait3A_311 = tpu.memref_squeeze %dma_wait3A_310 : memref<1x96xi32, #tpu.memory_space<vmem>> -> memref<96xi32, #tpu.memory_space<vmem>>
      %dma_wait3A_312 = arith.constant 0 : i32
      %dma_wait3A_313 = arith.constant 0 : i32
      %dma_wait3A_314 = tpu.memref_slice %arg12[%dma_wait3A_312, %dma_wait3A_313] : memref<10240x64xf32, #tpu.memory_space<vmem_shared>> -> memref<10240x64xf32, #tpu.memory_space<vmem_shared>>
      tpu.wait_indirect_dma semaphore(%arg19 : memref<!tpu.dma_semaphore, #tpu.memory_space<semaphore_mem>>) src(%dma_wait3A_314 : memref<10240x64xf32, #tpu.memory_space<vmem_shared>>) dst(%arg16 : memref<96x64xf32, #tpu.memory_space<vmem>>)
      %dma_start3A_315 = arith.constant 0 : i32
      %dma_start3A_316 = tpu.memref_slice %arg14[%add3A_307, %dma_start3A_315] : memref<105x96xi32, #tpu.memory_space<vmem>> -> memref<1x96xi32, #tpu.memory_space<vmem>>
      %dma_start3A_317 = tpu.memref_squeeze %dma_start3A_316 : memref<1x96xi32, #tpu.memory_space<vmem>> -> memref<96xi32, #tpu.memory_space<vmem>>
      %dma_start3A_318 = arith.constant 0 : i32
      %dma_start3A_319 = tpu.memref_slice %arg11[%dma_start3A_318] : memref<10240xf32, #tpu.memory_space<vmem_shared>> -> memref<10240xf32, #tpu.memory_space<vmem_shared>>
      tpu.enqueue_indirect_dma source(%arg18 : memref<96xf32, #tpu.memory_space<vmem>>) target(%dma_start3A_319 : memref<10240xf32, #tpu.memory_space<vmem_shared>>) offsets(%dma_start3A_317 : memref<96xi32, #tpu.memory_space<vmem>>) semaphore(%arg21 : memref<!tpu.dma_semaphore, #tpu.memory_space<semaphore_mem>>) {add = true}
      %dma_start3A_320 = arith.constant 0 : i32
      %dma_start3A_321 = tpu.memref_slice %arg14[%add3A_307, %dma_start3A_320] : memref<105x96xi32, #tpu.memory_space<vmem>> -> memref<1x96xi32, #tpu.memory_space<vmem>>
      %dma_start3A_322 = tpu.memref_squeeze %dma_start3A_321 : memref<1x96xi32, #tpu.memory_space<vmem>> -> memref<96xi32, #tpu.memory_space<vmem>>
      %dma_start3A_323 = arith.constant 0 : i32
      %dma_start3A_324 = arith.constant 0 : i32
      %dma_start3A_325 = tpu.memref_slice %arg10[%dma_start3A_323, %dma_start3A_324] : memref<10240x64xf32, #tpu.memory_space<vmem_shared>> -> memref<10240x64xf32, #tpu.memory_space<vmem_shared>>
      tpu.enqueue_indirect_dma source(%arg16 : memref<96x64xf32, #tpu.memory_space<vmem>>) target(%dma_start3A_325 : memref<10240x64xf32, #tpu.memory_space<vmem_shared>>) offsets(%dma_start3A_322 : memref<96xi32, #tpu.memory_space<vmem>>) semaphore(%arg20 : memref<!tpu.dma_semaphore, #tpu.memory_space<semaphore_mem>>) {add = true}
      %dma_wait3A_326 = arith.constant 0 : i32
      %dma_wait3A_327 = arith.constant 0 : i32
      %dma_wait3A_328 = tpu.memref_slice %arg14[%dma_wait3A_326, %dma_wait3A_327] : memref<105x96xi32, #tpu.memory_space<vmem>> -> memref<1x96xi32, #tpu.memory_space<vmem>>
      %dma_wait3A_329 = tpu.memref_squeeze %dma_wait3A_328 : memref<1x96xi32, #tpu.memory_space<vmem>> -> memref<96xi32, #tpu.memory_space<vmem>>
      %dma_wait3A_330 = arith.constant 0 : i32
      %dma_wait3A_331 = arith.constant 0 : i32
      %dma_wait3A_332 = tpu.memref_slice %arg10[%dma_wait3A_330, %dma_wait3A_331] : memref<10240x64xf32, #tpu.memory_space<vmem_shared>> -> memref<10240x64xf32, #tpu.memory_space<vmem_shared>>
      tpu.wait_indirect_dma semaphore(%arg20 : memref<!tpu.dma_semaphore, #tpu.memory_space<semaphore_mem>>) src(%arg15 : memref<96x64xf32, #tpu.memory_space<vmem>>) dst(%dma_wait3A_332 : memref<10240x64xf32, #tpu.memory_space<vmem_shared>>)
      %add3A_333 = arith.constant 2 : i32
      %add3A_334 = arith.addi %add3A_307, %add3A_333 : i32
      %dma_start3A_335 = arith.constant 0 : i32
      %dma_start3A_336 = tpu.memref_slice %arg13[%add3A_334, %dma_start3A_335] : memref<105x96xi32, #tpu.memory_space<vmem>> -> memref<1x96xi32, #tpu.memory_space<vmem>>
      %dma_start3A_337 = tpu.memref_squeeze %dma_start3A_336 : memref<1x96xi32, #tpu.memory_space<vmem>> -> memref<96xi32, #tpu.memory_space<vmem>>
      %dma_start3A_338 = arith.constant 0 : i32
      %dma_start3A_339 = arith.constant 0 : i32
      %dma_start3A_340 = tpu.memref_slice %arg12[%dma_start3A_338, %dma_start3A_339] : memref<10240x64xf32, #tpu.memory_space<vmem_shared>> -> memref<10240x64xf32, #tpu.memory_space<vmem_shared>>
      tpu.enqueue_indirect_dma source(%dma_start3A_340 : memref<10240x64xf32, #tpu.memory_space<vmem_shared>>) target(%arg15 : memref<96x64xf32, #tpu.memory_space<vmem>>) offsets(%dma_start3A_337 : memref<96xi32, #tpu.memory_space<vmem>>) semaphore(%arg19 : memref<!tpu.dma_semaphore, #tpu.memory_space<semaphore_mem>>)
      %mul3A_341 = arith.constant 3 : i32
      %mul3A_342 = arith.muli %mul3A_341, %scan3A_266 : i32
      %add3A_343 = arith.constant 2 : i32
      %add3A_344 = arith.addi %mul3A_342, %add3A_343 : i32
      %dma_wait3A_345 = arith.constant 0 : i32
      %dma_wait3A_346 = arith.constant 0 : i32
      %dma_wait3A_347 = tpu.memref_slice %arg13[%dma_wait3A_345, %dma_wait3A_346] : memref<105x96xi32, #tpu.memory_space<vmem>> -> memref<1x96xi32, #tpu.memory_space<vmem>>
      %dma_wait3A_348 = tpu.memref_squeeze %dma_wait3A_347 : memref<1x96xi32, #tpu.memory_space<vmem>> -> memref<96xi32, #tpu.memory_space<vmem>>
      %dma_wait3A_349 = arith.constant 0 : i32
      %dma_wait3A_350 = arith.constant 0 : i32
      %dma_wait3A_351 = tpu.memref_slice %arg12[%dma_wait3A_349, %dma_wait3A_350] : memref<10240x64xf32, #tpu.memory_space<vmem_shared>> -> memref<10240x64xf32, #tpu.memory_space<vmem_shared>>
      tpu.wait_indirect_dma semaphore(%arg19 : memref<!tpu.dma_semaphore, #tpu.memory_space<semaphore_mem>>) src(%dma_wait3A_351 : memref<10240x64xf32, #tpu.memory_space<vmem_shared>>) dst(%arg17 : memref<96x64xf32, #tpu.memory_space<vmem>>)
      %dma_start3A_352 = arith.constant 0 : i32
      %dma_start3A_353 = tpu.memref_slice %arg14[%add3A_344, %dma_start3A_352] : memref<105x96xi32, #tpu.memory_space<vmem>> -> memref<1x96xi32, #tpu.memory_space<vmem>>
      %dma_start3A_354 = tpu.memref_squeeze %dma_start3A_353 : memref<1x96xi32, #tpu.memory_space<vmem>> -> memref<96xi32, #tpu.memory_space<vmem>>
      %dma_start3A_355 = arith.constant 0 : i32
      %dma_start3A_356 = tpu.memref_slice %arg11[%dma_start3A_355] : memref<10240xf32, #tpu.memory_space<vmem_shared>> -> memref<10240xf32, #tpu.memory_space<vmem_shared>>
      tpu.enqueue_indirect_dma source(%arg18 : memref<96xf32, #tpu.memory_space<vmem>>) target(%dma_start3A_356 : memref<10240xf32, #tpu.memory_space<vmem_shared>>) offsets(%dma_start3A_354 : memref<96xi32, #tpu.memory_space<vmem>>) semaphore(%arg21 : memref<!tpu.dma_semaphore, #tpu.memory_space<semaphore_mem>>) {add = true}
      %dma_start3A_357 = arith.constant 0 : i32
      %dma_start3A_358 = tpu.memref_slice %arg14[%add3A_344, %dma_start3A_357] : memref<105x96xi32, #tpu.memory_space<vmem>> -> memref<1x96xi32, #tpu.memory_space<vmem>>
      %dma_start3A_359 = tpu.memref_squeeze %dma_start3A_358 : memref<1x96xi32, #tpu.memory_space<vmem>> -> memref<96xi32, #tpu.memory_space<vmem>>
      %dma_start3A_360 = arith.constant 0 : i32
      %dma_start3A_361 = arith.constant 0 : i32
      %dma_start3A_362 = tpu.memref_slice %arg10[%dma_start3A_360, %dma_start3A_361] : memref<10240x64xf32, #tpu.memory_space<vmem_shared>> -> memref<10240x64xf32, #tpu.memory_space<vmem_shared>>
      tpu.enqueue_indirect_dma source(%arg17 : memref<96x64xf32, #tpu.memory_space<vmem>>) target(%dma_start3A_362 : memref<10240x64xf32, #tpu.memory_space<vmem_shared>>) offsets(%dma_start3A_359 : memref<96xi32, #tpu.memory_space<vmem>>) semaphore(%arg20 : memref<!tpu.dma_semaphore, #tpu.memory_space<semaphore_mem>>) {add = true}
      %dma_wait3A_363 = arith.constant 0 : i32
      %dma_wait3A_364 = arith.constant 0 : i32
      %dma_wait3A_365 = tpu.memref_slice %arg14[%dma_wait3A_363, %dma_wait3A_364] : memref<105x96xi32, #tpu.memory_space<vmem>> -> memref<1x96xi32, #tpu.memory_space<vmem>>
      %dma_wait3A_366 = tpu.memref_squeeze %dma_wait3A_365 : memref<1x96xi32, #tpu.memory_space<vmem>> -> memref<96xi32, #tpu.memory_space<vmem>>
      %dma_wait3A_367 = arith.constant 0 : i32
      %dma_wait3A_368 = arith.constant 0 : i32
      %dma_wait3A_369 = tpu.memref_slice %arg10[%dma_wait3A_367, %dma_wait3A_368] : memref<10240x64xf32, #tpu.memory_space<vmem_shared>> -> memref<10240x64xf32, #tpu.memory_space<vmem_shared>>
      tpu.wait_indirect_dma semaphore(%arg20 : memref<!tpu.dma_semaphore, #tpu.memory_space<semaphore_mem>>) src(%arg15 : memref<96x64xf32, #tpu.memory_space<vmem>>) dst(%dma_wait3A_369 : memref<10240x64xf32, #tpu.memory_space<vmem_shared>>)
      %add3A_370 = arith.constant 2 : i32
      %add3A_371 = arith.addi %add3A_344, %add3A_370 : i32
      %dma_start3A_372 = arith.constant 0 : i32
      %dma_start3A_373 = tpu.memref_slice %arg13[%add3A_371, %dma_start3A_372] : memref<105x96xi32, #tpu.memory_space<vmem>> -> memref<1x96xi32, #tpu.memory_space<vmem>>
      %dma_start3A_374 = tpu.memref_squeeze %dma_start3A_373 : memref<1x96xi32, #tpu.memory_space<vmem>> -> memref<96xi32, #tpu.memory_space<vmem>>
      %dma_start3A_375 = arith.constant 0 : i32
      %dma_start3A_376 = arith.constant 0 : i32
      %dma_start3A_377 = tpu.memref_slice %arg12[%dma_start3A_375, %dma_start3A_376] : memref<10240x64xf32, #tpu.memory_space<vmem_shared>> -> memref<10240x64xf32, #tpu.memory_space<vmem_shared>>
      tpu.enqueue_indirect_dma source(%dma_start3A_377 : memref<10240x64xf32, #tpu.memory_space<vmem_shared>>) target(%arg16 : memref<96x64xf32, #tpu.memory_space<vmem>>) offsets(%dma_start3A_374 : memref<96xi32, #tpu.memory_space<vmem>>) semaphore(%arg19 : memref<!tpu.dma_semaphore, #tpu.memory_space<semaphore_mem>>)
    }
    %scan3A_160 = arith.constant 33 : i32
    %dma_wait3A_161 = arith.constant 0 : i32
    %dma_wait3A_162 = arith.constant 0 : i32
    %dma_wait3A_163 = tpu.memref_slice %arg13[%dma_wait3A_161, %dma_wait3A_162] : memref<105x96xi32, #tpu.memory_space<vmem>> -> memref<1x96xi32, #tpu.memory_space<vmem>>
    %dma_wait3A_164 = tpu.memref_squeeze %dma_wait3A_163 : memref<1x96xi32, #tpu.memory_space<vmem>> -> memref<96xi32, #tpu.memory_space<vmem>>
    %dma_wait3A_165 = arith.constant 0 : i32
    %dma_wait3A_166 = arith.constant 0 : i32
    %dma_wait3A_167 = tpu.memref_slice %arg12[%dma_wait3A_165, %dma_wait3A_166] : memref<10240x64xf32, #tpu.memory_space<vmem_shared>> -> memref<10240x64xf32, #tpu.memory_space<vmem_shared>>
    tpu.wait_indirect_dma semaphore(%arg19 : memref<!tpu.dma_semaphore, #tpu.memory_space<semaphore_mem>>) src(%dma_wait3A_167 : memref<10240x64xf32, #tpu.memory_space<vmem_shared>>) dst(%arg15 : memref<96x64xf32, #tpu.memory_space<vmem>>)
    %dma_start3A_168 = arith.constant 102 : i32
    %dma_start3A_169 = arith.constant 0 : i32
    %dma_start3A_170 = tpu.memref_slice %arg14[%dma_start3A_168, %dma_start3A_169] : memref<105x96xi32, #tpu.memory_space<vmem>> -> memref<1x96xi32, #tpu.memory_space<vmem>>
    %dma_start3A_171 = tpu.memref_squeeze %dma_start3A_170 : memref<1x96xi32, #tpu.memory_space<vmem>> -> memref<96xi32, #tpu.memory_space<vmem>>
    %dma_start3A_172 = arith.constant 0 : i32
    %dma_start3A_173 = tpu.memref_slice %arg11[%dma_start3A_172] : memref<10240xf32, #tpu.memory_space<vmem_shared>> -> memref<10240xf32, #tpu.memory_space<vmem_shared>>
    tpu.enqueue_indirect_dma source(%arg18 : memref<96xf32, #tpu.memory_space<vmem>>) target(%dma_start3A_173 : memref<10240xf32, #tpu.memory_space<vmem_shared>>) offsets(%dma_start3A_171 : memref<96xi32, #tpu.memory_space<vmem>>) semaphore(%arg21 : memref<!tpu.dma_semaphore, #tpu.memory_space<semaphore_mem>>) {add = true}
    %dma_start3A_174 = arith.constant 102 : i32
    %dma_start3A_175 = arith.constant 0 : i32
    %dma_start3A_176 = tpu.memref_slice %arg14[%dma_start3A_174, %dma_start3A_175] : memref<105x96xi32, #tpu.memory_space<vmem>> -> memref<1x96xi32, #tpu.memory_space<vmem>>
    %dma_start3A_177 = tpu.memref_squeeze %dma_start3A_176 : memref<1x96xi32, #tpu.memory_space<vmem>> -> memref<96xi32, #tpu.memory_space<vmem>>
    %dma_start3A_178 = arith.constant 0 : i32
    %dma_start3A_179 = arith.constant 0 : i32
    %dma_start3A_180 = tpu.memref_slice %arg10[%dma_start3A_178, %dma_start3A_179] : memref<10240x64xf32, #tpu.memory_space<vmem_shared>> -> memref<10240x64xf32, #tpu.memory_space<vmem_shared>>
    tpu.enqueue_indirect_dma source(%arg15 : memref<96x64xf32, #tpu.memory_space<vmem>>) target(%dma_start3A_180 : memref<10240x64xf32, #tpu.memory_space<vmem_shared>>) offsets(%dma_start3A_177 : memref<96xi32, #tpu.memory_space<vmem>>) semaphore(%arg20 : memref<!tpu.dma_semaphore, #tpu.memory_space<semaphore_mem>>) {add = true}
    %dma_wait3A_181 = arith.constant 0 : i32
    %dma_wait3A_182 = arith.constant 0 : i32
    %dma_wait3A_183 = tpu.memref_slice %arg14[%dma_wait3A_181, %dma_wait3A_182] : memref<105x96xi32, #tpu.memory_space<vmem>> -> memref<1x96xi32, #tpu.memory_space<vmem>>
    %dma_wait3A_184 = tpu.memref_squeeze %dma_wait3A_183 : memref<1x96xi32, #tpu.memory_space<vmem>> -> memref<96xi32, #tpu.memory_space<vmem>>
    %dma_wait3A_185 = arith.constant 0 : i32
    %dma_wait3A_186 = arith.constant 0 : i32
    %dma_wait3A_187 = tpu.memref_slice %arg10[%dma_wait3A_185, %dma_wait3A_186] : memref<10240x64xf32, #tpu.memory_space<vmem_shared>> -> memref<10240x64xf32, #tpu.memory_space<vmem_shared>>
    tpu.wait_indirect_dma semaphore(%arg20 : memref<!tpu.dma_semaphore, #tpu.memory_space<semaphore_mem>>) src(%arg15 : memref<96x64xf32, #tpu.memory_space<vmem>>) dst(%dma_wait3A_187 : memref<10240x64xf32, #tpu.memory_space<vmem_shared>>)
    %dma_start3A_188 = arith.constant 104 : i32
    %dma_start3A_189 = arith.constant 0 : i32
    %dma_start3A_190 = tpu.memref_slice %arg13[%dma_start3A_188, %dma_start3A_189] : memref<105x96xi32, #tpu.memory_space<vmem>> -> memref<1x96xi32, #tpu.memory_space<vmem>>
    %dma_start3A_191 = tpu.memref_squeeze %dma_start3A_190 : memref<1x96xi32, #tpu.memory_space<vmem>> -> memref<96xi32, #tpu.memory_space<vmem>>
    %dma_start3A_192 = arith.constant 0 : i32
    %dma_start3A_193 = arith.constant 0 : i32
    %dma_start3A_194 = tpu.memref_slice %arg12[%dma_start3A_192, %dma_start3A_193] : memref<10240x64xf32, #tpu.memory_space<vmem_shared>> -> memref<10240x64xf32, #tpu.memory_space<vmem_shared>>
    tpu.enqueue_indirect_dma source(%dma_start3A_194 : memref<10240x64xf32, #tpu.memory_space<vmem_shared>>) target(%arg17 : memref<96x64xf32, #tpu.memory_space<vmem>>) offsets(%dma_start3A_191 : memref<96xi32, #tpu.memory_space<vmem>>) semaphore(%arg19 : memref<!tpu.dma_semaphore, #tpu.memory_space<semaphore_mem>>)
    %dma_wait3A_195 = arith.constant 0 : i32
    %dma_wait3A_196 = arith.constant 0 : i32
    %dma_wait3A_197 = tpu.memref_slice %arg13[%dma_wait3A_195, %dma_wait3A_196] : memref<105x96xi32, #tpu.memory_space<vmem>> -> memref<1x96xi32, #tpu.memory_space<vmem>>
    %dma_wait3A_198 = tpu.memref_squeeze %dma_wait3A_197 : memref<1x96xi32, #tpu.memory_space<vmem>> -> memref<96xi32, #tpu.memory_space<vmem>>
    %dma_wait3A_199 = arith.constant 0 : i32
    %dma_wait3A_200 = arith.constant 0 : i32
    %dma_wait3A_201 = tpu.memref_slice %arg12[%dma_wait3A_199, %dma_wait3A_200] : memref<10240x64xf32, #tpu.memory_space<vmem_shared>> -> memref<10240x64xf32, #tpu.memory_space<vmem_shared>>
    tpu.wait_indirect_dma semaphore(%arg19 : memref<!tpu.dma_semaphore, #tpu.memory_space<semaphore_mem>>) src(%dma_wait3A_201 : memref<10240x64xf32, #tpu.memory_space<vmem_shared>>) dst(%arg16 : memref<96x64xf32, #tpu.memory_space<vmem>>)
    %dma_start3A_202 = arith.constant 103 : i32
    %dma_start3A_203 = arith.constant 0 : i32
    %dma_start3A_204 = tpu.memref_slice %arg14[%dma_start3A_202, %dma_start3A_203] : memref<105x96xi32, #tpu.memory_space<vmem>> -> memref<1x96xi32, #tpu.memory_space<vmem>>
    %dma_start3A_205 = tpu.memref_squeeze %dma_start3A_204 : memref<1x96xi32, #tpu.memory_space<vmem>> -> memref<96xi32, #tpu.memory_space<vmem>>
    %dma_start3A_206 = arith.constant 0 : i32
    %dma_start3A_207 = tpu.memref_slice %arg11[%dma_start3A_206] : memref<10240xf32, #tpu.memory_space<vmem_shared>> -> memref<10240xf32, #tpu.memory_space<vmem_shared>>
    tpu.enqueue_indirect_dma source(%arg18 : memref<96xf32, #tpu.memory_space<vmem>>) target(%dma_start3A_207 : memref<10240xf32, #tpu.memory_space<vmem_shared>>) offsets(%dma_start3A_205 : memref<96xi32, #tpu.memory_space<vmem>>) semaphore(%arg21 : memref<!tpu.dma_semaphore, #tpu.memory_space<semaphore_mem>>) {add = true}
    %dma_start3A_208 = arith.constant 103 : i32
    %dma_start3A_209 = arith.constant 0 : i32
    %dma_start3A_210 = tpu.memref_slice %arg14[%dma_start3A_208, %dma_start3A_209] : memref<105x96xi32, #tpu.memory_space<vmem>> -> memref<1x96xi32, #tpu.memory_space<vmem>>
    %dma_start3A_211 = tpu.memref_squeeze %dma_start3A_210 : memref<1x96xi32, #tpu.memory_space<vmem>> -> memref<96xi32, #tpu.memory_space<vmem>>
    %dma_start3A_212 = arith.constant 0 : i32
    %dma_start3A_213 = arith.constant 0 : i32
    %dma_start3A_214 = tpu.memref_slice %arg10[%dma_start3A_212, %dma_start3A_213] : memref<10240x64xf32, #tpu.memory_space<vmem_shared>> -> memref<10240x64xf32, #tpu.memory_space<vmem_shared>>
    tpu.enqueue_indirect_dma source(%arg16 : memref<96x64xf32, #tpu.memory_space<vmem>>) target(%dma_start3A_214 : memref<10240x64xf32, #tpu.memory_space<vmem_shared>>) offsets(%dma_start3A_211 : memref<96xi32, #tpu.memory_space<vmem>>) semaphore(%arg20 : memref<!tpu.dma_semaphore, #tpu.memory_space<semaphore_mem>>) {add = true}
    %dma_wait3A_215 = arith.constant 0 : i32
    %dma_wait3A_216 = arith.constant 0 : i32
    %dma_wait3A_217 = tpu.memref_slice %arg14[%dma_wait3A_215, %dma_wait3A_216] : memref<105x96xi32, #tpu.memory_space<vmem>> -> memref<1x96xi32, #tpu.memory_space<vmem>>
    %dma_wait3A_218 = tpu.memref_squeeze %dma_wait3A_217 : memref<1x96xi32, #tpu.memory_space<vmem>> -> memref<96xi32, #tpu.memory_space<vmem>>
    %dma_wait3A_219 = arith.constant 0 : i32
    %dma_wait3A_220 = arith.constant 0 : i32
    %dma_wait3A_221 = tpu.memref_slice %arg10[%dma_wait3A_219, %dma_wait3A_220] : memref<10240x64xf32, #tpu.memory_space<vmem_shared>> -> memref<10240x64xf32, #tpu.memory_space<vmem_shared>>
    tpu.wait_indirect_dma semaphore(%arg20 : memref<!tpu.dma_semaphore, #tpu.memory_space<semaphore_mem>>) src(%arg15 : memref<96x64xf32, #tpu.memory_space<vmem>>) dst(%dma_wait3A_221 : memref<10240x64xf32, #tpu.memory_space<vmem_shared>>)
    %dma_wait3A_222 = arith.constant 0 : i32
    %dma_wait3A_223 = arith.constant 0 : i32
    %dma_wait3A_224 = tpu.memref_slice %arg13[%dma_wait3A_222, %dma_wait3A_223] : memref<105x96xi32, #tpu.memory_space<vmem>> -> memref<1x96xi32, #tpu.memory_space<vmem>>
    %dma_wait3A_225 = tpu.memref_squeeze %dma_wait3A_224 : memref<1x96xi32, #tpu.memory_space<vmem>> -> memref<96xi32, #tpu.memory_space<vmem>>
    %dma_wait3A_226 = arith.constant 0 : i32
    %dma_wait3A_227 = arith.constant 0 : i32
    %dma_wait3A_228 = tpu.memref_slice %arg12[%dma_wait3A_226, %dma_wait3A_227] : memref<10240x64xf32, #tpu.memory_space<vmem_shared>> -> memref<10240x64xf32, #tpu.memory_space<vmem_shared>>
    tpu.wait_indirect_dma semaphore(%arg19 : memref<!tpu.dma_semaphore, #tpu.memory_space<semaphore_mem>>) src(%dma_wait3A_228 : memref<10240x64xf32, #tpu.memory_space<vmem_shared>>) dst(%arg17 : memref<96x64xf32, #tpu.memory_space<vmem>>)
    %dma_start3A_229 = arith.constant 104 : i32
    %dma_start3A_230 = arith.constant 0 : i32
    %dma_start3A_231 = tpu.memref_slice %arg14[%dma_start3A_229, %dma_start3A_230] : memref<105x96xi32, #tpu.memory_space<vmem>> -> memref<1x96xi32, #tpu.memory_space<vmem>>
    %dma_start3A_232 = tpu.memref_squeeze %dma_start3A_231 : memref<1x96xi32, #tpu.memory_space<vmem>> -> memref<96xi32, #tpu.memory_space<vmem>>
    %dma_start3A_233 = arith.constant 0 : i32
    %dma_start3A_234 = tpu.memref_slice %arg11[%dma_start3A_233] : memref<10240xf32, #tpu.memory_space<vmem_shared>> -> memref<10240xf32, #tpu.memory_space<vmem_shared>>
    tpu.enqueue_indirect_dma source(%arg18 : memref<96xf32, #tpu.memory_space<vmem>>) target(%dma_start3A_234 : memref<10240xf32, #tpu.memory_space<vmem_shared>>) offsets(%dma_start3A_232 : memref<96xi32, #tpu.memory_space<vmem>>) semaphore(%arg21 : memref<!tpu.dma_semaphore, #tpu.memory_space<semaphore_mem>>) {add = true}
    %dma_start3A_235 = arith.constant 104 : i32
    %dma_start3A_236 = arith.constant 0 : i32
    %dma_start3A_237 = tpu.memref_slice %arg14[%dma_start3A_235, %dma_start3A_236] : memref<105x96xi32, #tpu.memory_space<vmem>> -> memref<1x96xi32, #tpu.memory_space<vmem>>
    %dma_start3A_238 = tpu.memref_squeeze %dma_start3A_237 : memref<1x96xi32, #tpu.memory_space<vmem>> -> memref<96xi32, #tpu.memory_space<vmem>>
    %dma_start3A_239 = arith.constant 0 : i32
    %dma_start3A_240 = arith.constant 0 : i32
    %dma_start3A_241 = tpu.memref_slice %arg10[%dma_start3A_239, %dma_start3A_240] : memref<10240x64xf32, #tpu.memory_space<vmem_shared>> -> memref<10240x64xf32, #tpu.memory_space<vmem_shared>>
    tpu.enqueue_indirect_dma source(%arg17 : memref<96x64xf32, #tpu.memory_space<vmem>>) target(%dma_start3A_241 : memref<10240x64xf32, #tpu.memory_space<vmem_shared>>) offsets(%dma_start3A_238 : memref<96xi32, #tpu.memory_space<vmem>>) semaphore(%arg20 : memref<!tpu.dma_semaphore, #tpu.memory_space<semaphore_mem>>) {add = true}
    %dma_wait3A_242 = arith.constant 0 : i32
    %dma_wait3A_243 = arith.constant 0 : i32
    %dma_wait3A_244 = tpu.memref_slice %arg14[%dma_wait3A_242, %dma_wait3A_243] : memref<105x96xi32, #tpu.memory_space<vmem>> -> memref<1x96xi32, #tpu.memory_space<vmem>>
    %dma_wait3A_245 = tpu.memref_squeeze %dma_wait3A_244 : memref<1x96xi32, #tpu.memory_space<vmem>> -> memref<96xi32, #tpu.memory_space<vmem>>
    %dma_wait3A_246 = arith.constant 0 : i32
    %dma_wait3A_247 = arith.constant 0 : i32
    %dma_wait3A_248 = tpu.memref_slice %arg10[%dma_wait3A_246, %dma_wait3A_247] : memref<10240x64xf32, #tpu.memory_space<vmem_shared>> -> memref<10240x64xf32, #tpu.memory_space<vmem_shared>>
    tpu.wait_indirect_dma semaphore(%arg20 : memref<!tpu.dma_semaphore, #tpu.memory_space<semaphore_mem>>) src(%arg15 : memref<96x64xf32, #tpu.memory_space<vmem>>) dst(%dma_wait3A_248 : memref<10240x64xf32, #tpu.memory_space<vmem_shared>>)
    %dma_wait3A_249 = arith.constant 0 : i32
    %dma_wait3A_250 = arith.constant 0 : i32
    %dma_wait3A_251 = tpu.memref_slice %arg14[%dma_wait3A_249, %dma_wait3A_250] : memref<105x96xi32, #tpu.memory_space<vmem>> -> memref<1x96xi32, #tpu.memory_space<vmem>>
    %dma_wait3A_252 = tpu.memref_squeeze %dma_wait3A_251 : memref<1x96xi32, #tpu.memory_space<vmem>> -> memref<96xi32, #tpu.memory_space<vmem>>
    %dma_wait3A_253 = arith.constant 0 : i32
    %dma_wait3A_254 = arith.constant 0 : i32
    %dma_wait3A_255 = tpu.memref_slice %arg10[%dma_wait3A_253, %dma_wait3A_254] : memref<10240x64xf32, #tpu.memory_space<vmem_shared>> -> memref<10240x64xf32, #tpu.memory_space<vmem_shared>>
    tpu.wait_indirect_dma semaphore(%arg20 : memref<!tpu.dma_semaphore, #tpu.memory_space<semaphore_mem>>) src(%arg15 : memref<96x64xf32, #tpu.memory_space<vmem>>) dst(%dma_wait3A_255 : memref<10240x64xf32, #tpu.memory_space<vmem_shared>>)
    %scan3A_256 = arith.constant 0 : i32
    %scan3A_257 = arith.constant 0 : i32
    %scan3A_258 = arith.constant 105 : i32
    %scan3A_259 = arith.addi %scan3A_257, %scan3A_258 : i32
    %scan3A_260 = arith.constant 1 : i32
    scf.for %scan3A_266 = %scan3A_257 to %scan3A_259 step %scan3A_260  : i32 {
      %dma_wait3A_267 = arith.constant 0 : i32
      %dma_wait3A_268 = arith.constant 0 : i32
      %dma_wait3A_269 = tpu.memref_slice %arg14[%dma_wait3A_267, %dma_wait3A_268] : memref<105x96xi32, #tpu.memory_space<vmem>> -> memref<1x96xi32, #tpu.memory_space<vmem>>
      %dma_wait3A_270 = tpu.memref_squeeze %dma_wait3A_269 : memref<1x96xi32, #tpu.memory_space<vmem>> -> memref<96xi32, #tpu.memory_space<vmem>>
      %dma_wait3A_271 = arith.constant 0 : i32
      %dma_wait3A_272 = tpu.memref_slice %arg11[%dma_wait3A_271] : memref<10240xf32, #tpu.memory_space<vmem_shared>> -> memref<10240xf32, #tpu.memory_space<vmem_shared>>
      tpu.wait_indirect_dma semaphore(%arg21 : memref<!tpu.dma_semaphore, #tpu.memory_space<semaphore_mem>>) src(%arg18 : memref<96xf32, #tpu.memory_space<vmem>>) dst(%dma_wait3A_272 : memref<10240xf32, #tpu.memory_space<vmem_shared>>)
    }
    %scan3A_261 = arith.constant 105 : i32
    %barrier3A_262 = arith.constant 0 : index
    tpu.barrier barrier_id(%barrier3A_262)
    %mul3A_263 = arith.constant 10240 : i32
    %mul3A_264 = arith.muli %arg0, %mul3A_263 : i32
    %add3A_265 = arith.addi %mul3A_264, %mul3A_2 : i32
    "tpu.region"() ({
      %run_scoped3A = tpu.sem_alloc : memref<!tpu.dma_semaphore, #tpu.memory_space<semaphore_mem>>
      %dma_start3A_266 = arith.constant 0 : i32
      %dma_start3A_267 = tpu.memref_slice %arg8[%add3A_265, %dma_start3A_266] : memref<20480x64xf32, #tpu.memory_space<hbm>> -> memref<640x64xf32, #tpu.memory_space<hbm>>
      %dma_start3A_268 = arith.constant 0 : i32
      %dma_start3A_269 = tpu.memref_slice %arg10[%mul3A_2, %dma_start3A_268] : memref<10240x64xf32, #tpu.memory_space<vmem_shared>> -> memref<640x64xf32, #tpu.memory_space<vmem_shared>>
      tpu.enqueue_dma source(%dma_start3A_269 : memref<640x64xf32, #tpu.memory_space<vmem_shared>>) target(%dma_start3A_267 : memref<640x64xf32, #tpu.memory_space<hbm>>) target_semaphore(%run_scoped3A : memref<!tpu.dma_semaphore, #tpu.memory_space<semaphore_mem>>)
      %dma_wait3A_270 = arith.constant 0 : i32
      %dma_wait3A_271 = tpu.memref_slice %arg8[%add3A_265, %dma_wait3A_270] : memref<20480x64xf32, #tpu.memory_space<hbm>> -> memref<640x64xf32, #tpu.memory_space<hbm>>
      %dma_wait3A_272 = arith.constant 0 : i32
      %dma_wait3A_273 = tpu.memref_slice %arg10[%mul3A_2, %dma_wait3A_272] : memref<10240x64xf32, #tpu.memory_space<vmem_shared>> -> memref<640x64xf32, #tpu.memory_space<vmem_shared>>
      tpu.wait_dma2 semaphore(%run_scoped3A : memref<!tpu.dma_semaphore, #tpu.memory_space<semaphore_mem>>) src(%dma_wait3A_273 : memref<640x64xf32, #tpu.memory_space<vmem_shared>>) dst(%dma_wait3A_271 : memref<640x64xf32, #tpu.memory_space<hbm>>)
      tpu.yield
    }) : () -> ()
    "tpu.region"() ({
      %run_scoped3A = tpu.sem_alloc : memref<!tpu.dma_semaphore, #tpu.memory_space<semaphore_mem>>
      %dma_start3A_266 = tpu.memref_slice %arg9[%add3A_265] : memref<20480xf32, #tpu.memory_space<hbm>> -> memref<640xf32, #tpu.memory_space<hbm>>
      %dma_start3A_267 = tpu.memref_slice %arg11[%mul3A_2] : memref<10240xf32, #tpu.memory_space<vmem_shared>> -> memref<640xf32, #tpu.memory_space<vmem_shared>>
      tpu.enqueue_dma source(%dma_start3A_267 : memref<640xf32, #tpu.memory_space<vmem_shared>>) target(%dma_start3A_266 : memref<640xf32, #tpu.memory_space<hbm>>) target_semaphore(%run_scoped3A : memref<!tpu.dma_semaphore, #tpu.memory_space<semaphore_mem>>)
      %dma_wait3A_268 = tpu.memref_slice %arg9[%add3A_265] : memref<20480xf32, #tpu.memory_space<hbm>> -> memref<640xf32, #tpu.memory_space<hbm>>
      %dma_wait3A_269 = tpu.memref_slice %arg11[%mul3A_2] : memref<10240xf32, #tpu.memory_space<vmem_shared>> -> memref<640xf32, #tpu.memory_space<vmem_shared>>
      tpu.wait_dma2 semaphore(%run_scoped3A : memref<!tpu.dma_semaphore, #tpu.memory_space<semaphore_mem>>) src(%dma_wait3A_269 : memref<640xf32, #tpu.memory_space<vmem_shared>>) dst(%dma_wait3A_268 : memref<640xf32, #tpu.memory_space<hbm>>)
      tpu.yield
    }) : () -> ()
    return
  }
}

module attributes {stable_mosaic.version = 14 : i64} {
  func.func @_mm2_body(%arg0: i32, %arg1: memref<1024x128xf32, #tpu.memory_space<vmem>>, %arg2: memref<128x64xf32, #tpu.memory_space<vmem>>, %arg3: memref<128x64xf32, #tpu.memory_space<vmem>>, %arg4: memref<1024x64xf32, #tpu.memory_space<vmem>>, %arg5: memref<1024x64xf32, #tpu.memory_space<vmem>>) attributes {dimension_semantics = [#tpu.dimension_semantics<arbitrary>], iteration_bounds = array<i64: 10>, scalar_prefetch = 0 : i64, scratch_operands = 0 : i64, tpu.core_type = #tpu.core_type<tc>, window_params = [{transform_indices = @transform_0, window_bounds = array<i64: 1024, 128>}, {pipeline_mode = #tpu.pipeline_mode<synchronous>, transform_indices = @transform_1, window_bounds = array<i64: 128, 64>}, {pipeline_mode = #tpu.pipeline_mode<synchronous>, transform_indices = @transform_2, window_bounds = array<i64: 128, 64>}, {transform_indices = @transform_3, window_bounds = array<i64: 1024, 64>}, {transform_indices = @transform_4, window_bounds = array<i64: 1024, 64>}]} {
    %get3A = arith.constant 0 : index
    %get3A_0 = arith.constant 0 : index
    %get3A_1 = vector.load %arg1[%get3A, %get3A_0] : memref<1024x128xf32, #tpu.memory_space<vmem>>, vector<1024x128xf32>
    %get3A_2 = arith.constant 0 : index
    %get3A_3 = arith.constant 0 : index
    %get3A_4 = vector.load %arg2[%get3A_2, %get3A_3] : memref<128x64xf32, #tpu.memory_space<vmem>>, vector<128x64xf32>
    %dot_general3A = arith.constant dense<0.000000e+00> : vector<1024x64xf32>
    %dot_general3A_5 = tpu.matmul %get3A_1, %get3A_4, %dot_general3A {dimension_numbers = #tpu.dot_dimension_numbers<[1], [0], [0], [1], [0, 0, 1, 1], [], []>, transpose_lhs_hint = false} : vector<1024x128xf32>, vector<128x64xf32>, vector<1024x64xf32> -> vector<1024x64xf32>
    %swap3A = arith.constant 0 : index
    %swap3A_6 = arith.constant 0 : index
    %swap3A_7 = vector.load %arg4[%swap3A, %swap3A_6] : memref<1024x64xf32, #tpu.memory_space<vmem>>, vector<1024x64xf32>
    tpu.vector_store %arg4[%swap3A, %swap3A_6], %dot_general3A_5 {strides = array<i32>} : memref<1024x64xf32, #tpu.memory_space<vmem>>, vector<1024x64xf32>,
    %get3A_8 = arith.constant 0 : index
    %get3A_9 = arith.constant 0 : index
    %get3A_10 = vector.load %arg3[%get3A_8, %get3A_9] : memref<128x64xf32, #tpu.memory_space<vmem>>, vector<128x64xf32>
    %dot_general3A_11 = arith.constant dense<0.000000e+00> : vector<1024x64xf32>
    %dot_general3A_12 = tpu.matmul %get3A_1, %get3A_10, %dot_general3A_11 {dimension_numbers = #tpu.dot_dimension_numbers<[1], [0], [0], [1], [0, 0, 1, 1], [], []>, transpose_lhs_hint = false} : vector<1024x128xf32>, vector<128x64xf32>, vector<1024x64xf32> -> vector<1024x64xf32>
    %swap3A_13 = arith.constant 0 : index
    %swap3A_14 = arith.constant 0 : index
    %swap3A_15 = vector.load %arg5[%swap3A_13, %swap3A_14] : memref<1024x64xf32, #tpu.memory_space<vmem>>, vector<1024x64xf32>
    tpu.vector_store %arg5[%swap3A_13, %swap3A_14], %dot_general3A_12 {strides = array<i32>} : memref<1024x64xf32, #tpu.memory_space<vmem>>, vector<1024x64xf32>,
    return
  }
  func.func @transform_0(%arg0: i32) -> (i32, i32) {
    %c0_i32 = arith.constant 0 : i32
    %c0_i32_0 = arith.constant 0 : i32
    return %arg0, %c0_i32 : i32, i32
  }
  func.func @transform_1(%arg0: i32) -> (i32, i32) {
    %c0_i32 = arith.constant 0 : i32
    %c0_i32_0 = arith.constant 0 : i32
    %c0_i32_1 = arith.constant 0 : i32
    return %c0_i32, %c0_i32_0 : i32, i32
  }
  func.func @transform_2(%arg0: i32) -> (i32, i32) {
    %c0_i32 = arith.constant 0 : i32
    %c0_i32_0 = arith.constant 0 : i32
    %c0_i32_1 = arith.constant 0 : i32
    return %c0_i32, %c0_i32_0 : i32, i32
  }
  func.func @transform_3(%arg0: i32) -> (i32, i32) {
    %c0_i32 = arith.constant 0 : i32
    %c0_i32_0 = arith.constant 0 : i32
    return %arg0, %c0_i32 : i32, i32
  }
  func.func @transform_4(%arg0: i32) -> (i32, i32) {
    %c0_i32 = arith.constant 0 : i32
    %c0_i32_0 = arith.constant 0 : i32
    return %arg0, %c0_i32 : i32, i32
  }
}

module attributes {stable_mosaic.version = 14 : i64} {
  func.func @_combine_body(%arg0: i32, %arg1: memref<1024x64xf32, #tpu.memory_space<vmem>>, %arg2: memref<1024x64xf32, #tpu.memory_space<vmem>>, %arg3: memref<1024x1xf32, #tpu.memory_space<vmem>>, %arg4: memref<1024x1xf32, #tpu.memory_space<vmem>>, %arg5: memref<1024x64xf32, #tpu.memory_space<vmem>>, %arg6: memref<64x64xf32, #tpu.memory_space<vmem>>, %arg7: memref<64x64xf32, #tpu.memory_space<vmem>>, %arg8: memref<1x64xf32, #tpu.memory_space<vmem>>, %arg9: memref<1024x64xf32, #tpu.memory_space<vmem>>, %arg10: memref<1024x64xf32, #tpu.memory_space<vmem>>) attributes {dimension_semantics = [#tpu.dimension_semantics<arbitrary>], iteration_bounds = array<i64: 10>, scalar_prefetch = 0 : i64, scratch_operands = 0 : i64, tpu.core_type = #tpu.core_type<tc>, window_params = [{transform_indices = @transform_0, window_bounds = array<i64: 1024, 64>}, {transform_indices = @transform_1, window_bounds = array<i64: 1024, 64>}, {transform_indices = @transform_2, window_bounds = array<i64: 1024, 1>}, {transform_indices = @transform_3, window_bounds = array<i64: 1024, 1>}, {transform_indices = @transform_4, window_bounds = array<i64: 1024, 64>}, {pipeline_mode = #tpu.pipeline_mode<synchronous>, transform_indices = @transform_5, window_bounds = array<i64: 64, 64>}, {pipeline_mode = #tpu.pipeline_mode<synchronous>, transform_indices = @transform_6, window_bounds = array<i64: 64, 64>}, {pipeline_mode = #tpu.pipeline_mode<synchronous>, transform_indices = @transform_7, window_bounds = array<i64: 1, 64>}, {transform_indices = @transform_8, window_bounds = array<i64: 1024, 64>}, {transform_indices = @transform_9, window_bounds = array<i64: 1024, 64>}]} {
    %get3A = arith.constant 0 : index
    %get3A_0 = arith.constant 0 : index
    %get3A_1 = vector.load %arg3[%get3A, %get3A_0] : memref<1024x1xf32, #tpu.memory_space<vmem>>, vector<1024x1xf32>
    %get3A_2 = arith.constant 0 : index
    %get3A_3 = arith.constant 0 : index
    %get3A_4 = vector.load %arg4[%get3A_2, %get3A_3] : memref<1024x1xf32, #tpu.memory_space<vmem>>, vector<1024x1xf32>
    %add3A = arith.addf %get3A_1, %get3A_4 : vector<1024x1xf32>
    %max3A = arith.constant 1.000000e+00 : f32
    %max3A_5 = vector.broadcast %max3A : f32 to vector<1024x1xf32>
    %max3A_6 = arith.maximumf %add3A, %max3A_5 : vector<1024x1xf32>
    %get3A_7 = arith.constant 0 : index
    %get3A_8 = arith.constant 0 : index
    %get3A_9 = vector.load %arg1[%get3A_7, %get3A_8] : memref<1024x64xf32, #tpu.memory_space<vmem>>, vector<1024x64xf32>
    %get3A_10 = arith.constant 0 : index
    %get3A_11 = arith.constant 0 : index
    %get3A_12 = vector.load %arg2[%get3A_10, %get3A_11] : memref<1024x64xf32, #tpu.memory_space<vmem>>, vector<1024x64xf32>
    %add3A_13 = arith.addf %get3A_9, %get3A_12 : vector<1024x64xf32>
    %div3A = vector.broadcast %max3A_6 : vector<1024x1xf32> to vector<1024x64xf32>
    %div3A_14 = arith.divf %add3A_13, %div3A : vector<1024x64xf32>
    %get3A_15 = arith.constant 0 : index
    %get3A_16 = arith.constant 0 : index
    %get3A_17 = vector.load %arg5[%get3A_15, %get3A_16] : memref<1024x64xf32, #tpu.memory_space<vmem>>, vector<1024x64xf32>
    %add3A_18 = arith.addf %div3A_14, %get3A_17 : vector<1024x64xf32>
    %get3A_19 = arith.constant 0 : index
    %get3A_20 = arith.constant 0 : index
    %get3A_21 = vector.load %arg8[%get3A_19, %get3A_20] : memref<1x64xf32, #tpu.memory_space<vmem>>, vector<1x64xf32>
    %add3A_22 = vector.broadcast %get3A_21 : vector<1x64xf32> to vector<1024x64xf32>
    %add3A_23 = arith.addf %add3A_18, %add3A_22 : vector<1024x64xf32>
    %max3A_24 = arith.constant 0.000000e+00 : f32
    %max3A_25 = vector.broadcast %max3A_24 : f32 to vector<1024x64xf32>
    %max3A_26 = arith.maximumf %add3A_23, %max3A_25 : vector<1024x64xf32>
    %get3A_27 = arith.constant 0 : index
    %get3A_28 = arith.constant 0 : index
    %get3A_29 = vector.load %arg6[%get3A_27, %get3A_28] : memref<64x64xf32, #tpu.memory_space<vmem>>, vector<64x64xf32>
    %dot_general3A = arith.constant dense<0.000000e+00> : vector<1024x64xf32>
    %dot_general3A_30 = tpu.matmul %max3A_26, %get3A_29, %dot_general3A {dimension_numbers = #tpu.dot_dimension_numbers<[1], [0], [0], [1], [0, 0, 1, 1], [], []>, transpose_lhs_hint = false} : vector<1024x64xf32>, vector<64x64xf32>, vector<1024x64xf32> -> vector<1024x64xf32>
    %swap3A = arith.constant 0 : index
    %swap3A_31 = arith.constant 0 : index
    %swap3A_32 = vector.load %arg9[%swap3A, %swap3A_31] : memref<1024x64xf32, #tpu.memory_space<vmem>>, vector<1024x64xf32>
    tpu.vector_store %arg9[%swap3A, %swap3A_31], %dot_general3A_30 {strides = array<i32>} : memref<1024x64xf32, #tpu.memory_space<vmem>>, vector<1024x64xf32>,
    %get3A_33 = arith.constant 0 : index
    %get3A_34 = arith.constant 0 : index
    %get3A_35 = vector.load %arg7[%get3A_33, %get3A_34] : memref<64x64xf32, #tpu.memory_space<vmem>>, vector<64x64xf32>
    %dot_general3A_36 = arith.constant dense<0.000000e+00> : vector<1024x64xf32>
    %dot_general3A_37 = tpu.matmul %max3A_26, %get3A_35, %dot_general3A_36 {dimension_numbers = #tpu.dot_dimension_numbers<[1], [0], [0], [1], [0, 0, 1, 1], [], []>, transpose_lhs_hint = false} : vector<1024x64xf32>, vector<64x64xf32>, vector<1024x64xf32> -> vector<1024x64xf32>
    %swap3A_38 = arith.constant 0 : index
    %swap3A_39 = arith.constant 0 : index
    %swap3A_40 = vector.load %arg10[%swap3A_38, %swap3A_39] : memref<1024x64xf32, #tpu.memory_space<vmem>>, vector<1024x64xf32>
    tpu.vector_store %arg10[%swap3A_38, %swap3A_39], %dot_general3A_37 {strides = array<i32>} : memref<1024x64xf32, #tpu.memory_space<vmem>>, vector<1024x64xf32>,
    return
  }
  func.func @transform_0(%arg0: i32) -> (i32, i32) {
    %c0_i32 = arith.constant 0 : i32
    %c0_i32_0 = arith.constant 0 : i32
    return %arg0, %c0_i32 : i32, i32
  }
  func.func @transform_1(%arg0: i32) -> (i32, i32) {
    %c0_i32 = arith.constant 0 : i32
    %c0_i32_0 = arith.constant 0 : i32
    return %arg0, %c0_i32 : i32, i32
  }
  func.func @transform_2(%arg0: i32) -> (i32, i32) {
    %c0_i32 = arith.constant 0 : i32
    %c0_i32_0 = arith.constant 0 : i32
    return %arg0, %c0_i32 : i32, i32
  }
  func.func @transform_3(%arg0: i32) -> (i32, i32) {
    %c0_i32 = arith.constant 0 : i32
    %c0_i32_0 = arith.constant 0 : i32
    return %arg0, %c0_i32 : i32, i32
  }
  func.func @transform_4(%arg0: i32) -> (i32, i32) {
    %c0_i32 = arith.constant 0 : i32
    %c0_i32_0 = arith.constant 0 : i32
    return %arg0, %c0_i32 : i32, i32
  }
  func.func @transform_5(%arg0: i32) -> (i32, i32) {
    %c0_i32 = arith.constant 0 : i32
    %c0_i32_0 = arith.constant 0 : i32
    %c0_i32_1 = arith.constant 0 : i32
    return %c0_i32, %c0_i32_0 : i32, i32
  }
  func.func @transform_6(%arg0: i32) -> (i32, i32) {
    %c0_i32 = arith.constant 0 : i32
    %c0_i32_0 = arith.constant 0 : i32
    %c0_i32_1 = arith.constant 0 : i32
    return %c0_i32, %c0_i32_0 : i32, i32
  }
  func.func @transform_7(%arg0: i32) -> (i32, i32) {
    %c0_i32 = arith.constant 0 : i32
    %c0_i32_0 = arith.constant 0 : i32
    %c0_i32_1 = arith.constant 0 : i32
    return %c0_i32, %c0_i32_0 : i32, i32
  }
  func.func @transform_8(%arg0: i32) -> (i32, i32) {
    %c0_i32 = arith.constant 0 : i32
    %c0_i32_0 = arith.constant 0 : i32
    return %arg0, %c0_i32 : i32, i32
  }
  func.func @transform_9(%arg0: i32) -> (i32, i32) {
    %c0_i32 = arith.constant 0 : i32
    %c0_i32_0 = arith.constant 0 : i32
    return %arg0, %c0_i32 : i32, i32
  }
}

module attributes {stable_mosaic.version = 14 : i64} {
  func.func @_final_body(%arg0: i32, %arg1: memref<1024x64xf32, #tpu.memory_space<vmem>>, %arg2: memref<1024x64xf32, #tpu.memory_space<vmem>>, %arg3: memref<1024x1xf32, #tpu.memory_space<vmem>>, %arg4: memref<1024x1xf32, #tpu.memory_space<vmem>>, %arg5: memref<1024x64xf32, #tpu.memory_space<vmem>>, %arg6: memref<1x64xf32, #tpu.memory_space<vmem>>, %arg7: memref<1024x64xf32, #tpu.memory_space<vmem>>) attributes {dimension_semantics = [#tpu.dimension_semantics<arbitrary>], iteration_bounds = array<i64: 10>, scalar_prefetch = 0 : i64, scratch_operands = 0 : i64, tpu.core_type = #tpu.core_type<tc>, window_params = [{transform_indices = @transform_0, window_bounds = array<i64: 1024, 64>}, {transform_indices = @transform_1, window_bounds = array<i64: 1024, 64>}, {transform_indices = @transform_2, window_bounds = array<i64: 1024, 1>}, {transform_indices = @transform_3, window_bounds = array<i64: 1024, 1>}, {transform_indices = @transform_4, window_bounds = array<i64: 1024, 64>}, {pipeline_mode = #tpu.pipeline_mode<synchronous>, transform_indices = @transform_5, window_bounds = array<i64: 1, 64>}, {transform_indices = @transform_6, window_bounds = array<i64: 1024, 64>}]} {
    %get3A = arith.constant 0 : index
    %get3A_0 = arith.constant 0 : index
    %get3A_1 = vector.load %arg3[%get3A, %get3A_0] : memref<1024x1xf32, #tpu.memory_space<vmem>>, vector<1024x1xf32>
    %get3A_2 = arith.constant 0 : index
    %get3A_3 = arith.constant 0 : index
    %get3A_4 = vector.load %arg4[%get3A_2, %get3A_3] : memref<1024x1xf32, #tpu.memory_space<vmem>>, vector<1024x1xf32>
    %add3A = arith.addf %get3A_1, %get3A_4 : vector<1024x1xf32>
    %max3A = arith.constant 1.000000e+00 : f32
    %max3A_5 = vector.broadcast %max3A : f32 to vector<1024x1xf32>
    %max3A_6 = arith.maximumf %add3A, %max3A_5 : vector<1024x1xf32>
    %get3A_7 = arith.constant 0 : index
    %get3A_8 = arith.constant 0 : index
    %get3A_9 = vector.load %arg1[%get3A_7, %get3A_8] : memref<1024x64xf32, #tpu.memory_space<vmem>>, vector<1024x64xf32>
    %get3A_10 = arith.constant 0 : index
    %get3A_11 = arith.constant 0 : index
    %get3A_12 = vector.load %arg2[%get3A_10, %get3A_11] : memref<1024x64xf32, #tpu.memory_space<vmem>>, vector<1024x64xf32>
    %add3A_13 = arith.addf %get3A_9, %get3A_12 : vector<1024x64xf32>
    %div3A = vector.broadcast %max3A_6 : vector<1024x1xf32> to vector<1024x64xf32>
    %div3A_14 = arith.divf %add3A_13, %div3A : vector<1024x64xf32>
    %get3A_15 = arith.constant 0 : index
    %get3A_16 = arith.constant 0 : index
    %get3A_17 = vector.load %arg5[%get3A_15, %get3A_16] : memref<1024x64xf32, #tpu.memory_space<vmem>>, vector<1024x64xf32>
    %add3A_18 = arith.addf %div3A_14, %get3A_17 : vector<1024x64xf32>
    %get3A_19 = arith.constant 0 : index
    %get3A_20 = arith.constant 0 : index
    %get3A_21 = vector.load %arg6[%get3A_19, %get3A_20] : memref<1x64xf32, #tpu.memory_space<vmem>>, vector<1x64xf32>
    %add3A_22 = vector.broadcast %get3A_21 : vector<1x64xf32> to vector<1024x64xf32>
    %add3A_23 = arith.addf %add3A_18, %add3A_22 : vector<1024x64xf32>
    %swap3A = arith.constant 0 : index
    %swap3A_24 = arith.constant 0 : index
    %swap3A_25 = vector.load %arg7[%swap3A, %swap3A_24] : memref<1024x64xf32, #tpu.memory_space<vmem>>, vector<1024x64xf32>
    tpu.vector_store %arg7[%swap3A, %swap3A_24], %add3A_23 {strides = array<i32>} : memref<1024x64xf32, #tpu.memory_space<vmem>>, vector<1024x64xf32>,
    return
  }
  func.func @transform_0(%arg0: i32) -> (i32, i32) {
    %c0_i32 = arith.constant 0 : i32
    %c0_i32_0 = arith.constant 0 : i32
    return %arg0, %c0_i32 : i32, i32
  }
  func.func @transform_1(%arg0: i32) -> (i32, i32) {
    %c0_i32 = arith.constant 0 : i32
    %c0_i32_0 = arith.constant 0 : i32
    return %arg0, %c0_i32 : i32, i32
  }
  func.func @transform_2(%arg0: i32) -> (i32, i32) {
    %c0_i32 = arith.constant 0 : i32
    %c0_i32_0 = arith.constant 0 : i32
    return %arg0, %c0_i32 : i32, i32
  }
  func.func @transform_3(%arg0: i32) -> (i32, i32) {
    %c0_i32 = arith.constant 0 : i32
    %c0_i32_0 = arith.constant 0 : i32
    return %arg0, %c0_i32 : i32, i32
  }
  func.func @transform_4(%arg0: i32) -> (i32, i32) {
    %c0_i32 = arith.constant 0 : i32
    %c0_i32_0 = arith.constant 0 : i32
    return %arg0, %c0_i32 : i32, i32
  }
  func.func @transform_5(%arg0: i32) -> (i32, i32) {
    %c0_i32 = arith.constant 0 : i32
    %c0_i32_0 = arith.constant 0 : i32
    %c0_i32_1 = arith.constant 0 : i32
    return %c0_i32, %c0_i32_0 : i32, i32
  }
  func.func @transform_6(%arg0: i32) -> (i32, i32) {
    %c0_i32 = arith.constant 0 : i32
    %c0_i32_0 = arith.constant 0 : i32
    return %arg0, %c0_i32 : i32, i32
  }
}

</mosaic_0001>

<sc_bundles>
// kernel: kernel.10.cloned.1.call-start
scs
__scs_entry_jumppad:
0x0: {  	(pc) =	sbr.rel $0x88, $3  }
0x1: {  	(tag) =	ssettag $0x0;
	lr =	simm.s32 $0x1  }
0x2: {  	[smem:$0x3F99] =	sst lr;
	_ =	strace $0xD0000000  }
0x3: {  	_ = 	snop  }
0x4: {  	_ = 	snop  }
0x5: {  	_ = 	snop  }
0x6: {  	_ = 	snop  }
0x7: {  	_ = 	snop  }
__scs_overlays_trampoline_lowered:
0x8: {  	[smem:$0x3FA8] =	sst s0  }
0x9: {  	[smem:$0x3FA9] =	sst s1  }
0xa: {  	[smem:$0x3FAA] =	sst s2  }
0xb: {  	[smem:$0x3FAB] =	sst s3  }
0xc: {  	[smem:$0x3FAC] =	sst s4  }
0xd: {  	[smem:$0x3FAD] =	sst s5  }
0xe: {  	[smem:$0x3FAE] =	sst s6  }
0xf: {  	[smem:$0x3FAF] =	sst s7  }
0x10: {  	[smem:$0x3FB0] =	sst s8  }
0x11: {  	[smem:$0x3FB1] =	sst s9;
	s0 =	simm.s32 @!p0 $0x0  }
0x12: {  	s1 =	sld [smem:$0x3F97];
	s0 =	simm.s32 @p0 $0x1  }
0x13: {  	[smem:$0x3FB2] =	sst s0;
	s0 =	simm.s32 @!p1 $0x0  }
0x14: {  	s2 =	sld [smem:$0x3F96];
	s0 =	simm.s32 @p1 $0x1  }
0x15: {  	[smem:$0x3FB3] =	sst s0;
	s0 =	simm.s32 @!p2 $0x0  }
0x16: {  	s3 =	sld [smem:$0x3FDB];
	s0 =	simm.s32 @p2 $0x1  }
0x17: {  	s4 =	simm.s32 $0x1BF5;
	[smem:$0x3FB5] =	sst s0  }
0x18: {  	s0 =	sld [smem:$0x3F98];
	_ =	swait.ge [sflag:s4], $0x0  }
0x19: {  	s7 =	sld [smem:$0x3F99]  }
0x1a: {  	s8 =	sadd.s32 $0xFFFFE003, lr  }
0x1b: {  	s9 =	sadd.s32 $0xFFFFFEF7, lr;
	s5 =	simm.s32 $0xFFFFFFFF;
	p2 =	slt.u32 s8, $0xFFFFF086  }
0x1c: {  	p1 =	slt.u32 s9, $0xF7A;
	s5 =	simm.s32 @!p2 $0x0  }
0x1d: {  	s5 =	simm.s32 @p1 $0x1;
	p0 =	seq.s32 s7, s2  }
0x1e: {  	s7 =	smul.u32 @!p0 $0xF7A, s2;
	p2 =	seq.s32 @!p0 s5, $0x0  }
0x1f: {  	s9 =	smul.u32 $0xF7A, s1;
	s8 =	simm.s32 @!p0 $0x1BF5;
	p2 =	por !p2, p0  }
0x20: {  	[sflag:s8] =	ssyncset.s32 @!p0 $0xFFFFF086;
	s6 =	sadd.s32 @!p0 s3, s7;
	s7 =	simm.s32 @!p0 $0x108  }
0x21: {  	s3 =	sadd.s32 s3, s9;
	s6 =	sadd.s32 @!p0 $0x88, s6;
	s7 =	simm.s32 @p2 $0x1082  }
0x22: {  	[simem:s7], [sflag:s8] =	dma.local @!p0 [hbm:s6], $0xF7A  }
0x23: {  	s9 =	sor.u32 $0xD0000000, s2;
	s6 =	simm.s32 $0x108;
	_ =	swait.ge @!p0 [sflag:s8], $0x0  }
0x24: {  	s3 =	sadd.s32 $0x88, s3;
	s6 =	simm.s32 @!p1 $0x1082;
	[sflag:s4] =	ssyncset.s32 $0xFFFFF086  }
0x25: {  	[simem:s6], [sflag:s4] =	dma.local [hbm:s3], $0xF7A  }
0x26: {  	[smem:$0x3F99] =	sst s1;
	(tag) =	ssettag s2;
	_ =	strace s9  }
0x27: {  	s1 =	sld [smem:$0x3FA9]  }
0x28: {  	s2 =	sld [smem:$0x3FAA]  }
0x29: {  	s4 =	sld [smem:$0x3FAC]  }
0x2a: {  	p0 =	seq.s32 s5, $0x0;
	s5 =	sld [smem:$0x3FAD]  }
0x2b: {  	s6 =	sld [smem:$0x3FAE]  }
0x2c: {  	s7 =	sld [smem:$0x3FAF]  }
0x2d: {  	s3 =	simm.s32 $0x108;
	s8 =	sld [smem:$0x3FB0]  }
0x2e: {  	s3 =	simm.s32 @!p0 $0x1082;
	s9 =	sld [smem:$0x3FB1]  }
0x2f: {  	lr =	sadd.s32 s0, s3;
	s0 =	sld [smem:$0x3FA8]  }
0x30: {  	s3 =	sld [smem:$0x3FAB]  }
0x31: {  	[smem:$0x3FB4] =	sst s10  }
0x32: {  	s10 =	sld [smem:$0x3FB2];
	_ =	sdelay $0x3  }
0x33: {  	p0 =	seq.s32 s10, $0x1;
	s10 =	sld [smem:$0x3FB4];
	_ =	sdelay $0x3  }
0x34: {  	[smem:$0x3FB4] =	sst s10  }
0x35: {  	s10 =	sld [smem:$0x3FB3];
	_ =	sdelay $0x3  }
0x36: {  	p1 =	seq.s32 s10, $0x1;
	s10 =	sld [smem:$0x3FB4];
	_ =	sdelay $0x3  }
0x37: {  	[smem:$0x3FB4] =	sst s10  }
0x38: {  	s10 =	sld [smem:$0x3FB5]  }
0x39: {  	_ = 	snop;
	(pc) =	sbr.ind lr, $3  }
0x3a: {  	_ = 	snop  }
0x3b: {  	_ = 	snop  }
0x3c: {  	p2 =	seq.s32 s10, $0x1;
	s10 =	sld [smem:$0x3FB4]  }
0x3d: {  	_ =	shalt  }
0x3e: {  	_ =	shalt  }
0x3f: {  	_ =	shalt  }
0x40: {  	_ =	shalt  }
0x41: {  	_ =	shalt  }
0x42: {  	_ =	shalt  }
0x43: {  	_ =	shalt  }
0x44: {  	_ =	shalt  }
0x45: {  	_ =	shalt  }
0x46: {  	_ =	shalt  }
0x47: {  	_ =	shalt  }
0x48: {  	_ =	shalt  }
0x49: {  	_ =	shalt  }
0x4a: {  	_ =	shalt  }
0x4b: {  	_ =	shalt  }
0x4c: {  	_ =	shalt  }
0x4d: {  	_ =	shalt  }
0x4e: {  	_ =	shalt  }
0x4f: {  	_ =	shalt  }
0x50: {  	_ =	shalt  }
0x51: {  	_ =	shalt  }
0x52: {  	_ =	shalt  }
0x53: {  	_ =	shalt  }
0x54: {  	_ =	shalt  }
0x55: {  	_ =	shalt  }
0x56: {  	_ =	shalt  }
0x57: {  	_ =	shalt  }
0x58: {  	_ =	shalt  }
0x59: {  	_ =	shalt  }
0x5a: {  	_ =	shalt  }
0x5b: {  	_ =	shalt  }
0x5c: {  	_ =	shalt  }
0x5d: {  	_ =	shalt  }
0x5e: {  	_ =	shalt  }
0x5f: {  	_ =	shalt  }
0x60: {  	_ =	shalt  }
0x61: {  	_ =	shalt  }
0x62: {  	_ =	shalt  }
0x63: {  	_ =	shalt  }
0x64: {  	_ =	shalt  }
0x65: {  	_ =	shalt  }
0x66: {  	_ =	shalt  }
0x67: {  	_ =	shalt  }
0x68: {  	_ =	shalt  }
0x69: {  	_ =	shalt  }
0x6a: {  	_ =	shalt  }
0x6b: {  	_ =	shalt  }
0x6c: {  	_ =	shalt  }
0x6d: {  	_ =	shalt  }
0x6e: {  	_ =	shalt  }
0x6f: {  	_ =	shalt  }
0x70: {  	_ =	shalt  }
0x71: {  	_ =	shalt  }
0x72: {  	_ =	shalt  }
0x73: {  	_ =	shalt  }
0x74: {  	_ =	shalt  }
0x75: {  	_ =	shalt  }
0x76: {  	_ =	shalt  }
0x77: {  	_ =	shalt  }
0x78: {  	_ =	shalt  }
0x79: {  	_ =	shalt  }
0x7a: {  	_ =	shalt  }
0x7b: {  	_ =	shalt  }
0x7c: {  	_ =	shalt  }
0x7d: {  	_ =	shalt  }
0x7e: {  	_ =	shalt  }
0x7f: {  	_ =	shalt  }
0x80: {  	_ =	shalt  }
0x81: {  	_ =	shalt  }
0x82: {  	_ =	shalt  }
0x83: {  	_ =	shalt  }
0x84: {  	_ =	shalt  }
0x85: {  	_ =	shalt  }
0x86: {  	_ =	shalt  }
0x87: {  	_ =	shalt  }
.Lfunc_end0:
.L_simem_size_0:
called_computation.1_lowered:
.L_overlay_start_0:
0x88: {  	s2 =	sld [smem:$0x3FD9]  }
0x89: {  	s3 =	sld [smem:$0x3FFE];
	_ =	sdelay $0x1  }
0x8a: {  	s1 =	srdreg.scid  }
0x8b: {  	s0 =	sand.u32 $0x1, s1  }
0x8c: {  	s17 =	sshll.u32 s0, $0xA;
	s2 =	sadd.s32 s3, s2  }
0x8d: {  	s2 =	sadd.s32 s2, s17  }
0x8e: {  	[smem:$0x3FC0] =	sst s2  }
0x8f: {  	_ = 	snop  }
0x90: {  	s2 =	sld [smem:$0x3FD0];
	(tm) =	ssettm $0x1  }
0x91: {  	s18 =	sld [smem:$0x3FFB];
	_ =	sdelay $0x3  }
0x92: {  	_ =	strace s18  }
0x93: {  	s3 =	sld [smem:$0x3FFC];
	_ =	sdelay $0x3  }
0x94: {  	_ =	strace s3  }
0x95: {  	s3 =	sld [smem:$0x3FFD];
	_ =	sdelay $0x3  }
0x96: {  	_ =	strace s3  }
0x97: {  	_ =	strace $0x8FFFFFFF  }
0x98: {  	s19 =	sld [smem:$0x3FDB];
	_ =	sdelay $0x1  }
0x99: {  	s4 =	simm.s32 $_scs_section_size  }
0x9a: {  	s5 =	simm.s32 $_size__tile_overlayer_lowered;
	s6 =	simm.s32 $_tile_overlayer_lowered  }
0x9b: {  	s22 =	simm.s32 $0x1BFF;
	s21 =	sshll.u32 s6, $0x1;
	s3 =	sadd.s32 s4, s19  }
0x9c: {  	s7 =	simm.s32 $0x0;
	s20 =	sshll.u32 s5, $0x1;
	s5 =	sadd.s32 s21, s3  }
0x9d: {  	[timem:s7], [sflag:s22] =	dma.local [hbm:s5], s20  }
0x9e: {  	_ =	swait.ge [sflag:s22], s20  }
0x9f: {  	s4 =	ssub.s32 $0x0, s20;
	[sflag:s22] =	ssyncset.done $0x0  }
0xa0: {  	[sflag:s22] =	ssyncadd.s32 s4;
	_ =	sdelay $0x1  }
0xa1: {  	s23 =	simm.s32 $0x1B8B  }
0xa2: {  	_ =	swait.ge [sflag:s23], $0x1  }
0xa3: {  	[sflag:s23] =	ssyncset.done $0x0  }
0xa4: {  	s25 =	simm.s32 $0x1B8E;
	s24 =	sld [smem:$0x3FFE];
	[sflag:s23] =	ssyncadd.s32 $0xFFFFFFFF  }
0xa5: {  	s26 =	simm.s32 $execute0_lowered;
	[smem:$0x3FD2] =	sst s25  }
0xa6: {  	s5 =	sshll.u32 s26, $0x1;
	_ =	strace $0x80000049;
	[dreg:$0x1] =	wrdreg $0xFFFFFFFF  }
0xa7: {  	s28 =	simm.s32 $_size_execute0_lowered;
	s3 =	sadd.s32 s3, s5;
	[dreg:$0x0] =	wrdreg $0x0  }
0xa8: {  	s5 =	sshll.u32 s28, $0x1;
	[dreg:$0x2] =	wrdreg s3  }
0xa9: {  	[dreg:$0x3] =	wrdreg s5  }
0xaa: {  	[dreg:$0x4] =	wrdreg $0xC0  }
0xab: {  	_ =	task [dreg:s7], $0x5FFFF  }
0xac: {  	[dreg:$0x1] =	wrdreg $0xFFFFFFFF  }
0xad: {  	[dreg:$0x0] =	wrdreg $0x60  }
0xae: {  	[dreg:$0x2] =	wrdreg s24  }
0xaf: {  	[dreg:$0x3] =	wrdreg s2  }
0xb0: {  	[dreg:$0x4] =	wrdreg $0x0  }
0xb1: {  	[dreg:$0x5] =	wrdreg $0xA0000  }
0xb2: {  	[dreg:$0x6] =	wrdreg $0x9  }
0xb3: {  	_ =	task.clear_ibuf [dreg:s7], $0x7FFFF;
	_ =	strace $0x90000049  }
0xb4: {  	s29 =	simm.s32 $0x9;
	_ =	strace $0x8000004B  }
0xb5: {  	_ =	swait.ge [sflag:s29], $0x1  }
0xb6: {  	[sflag:s29] =	ssyncadd.s32 $0xFFFFFFFF  }
0xb7: {  	_ =	strace $0x9000004B  }
0xb8: {  	_ =	sfence  }
0xb9: {  	s30 =	sld [smem:$0x0];
	_ =	sdelay $0x2  }
0xba: {  	s31 =	sshll.u32 s1, $0xD;
	s1 =	sshrl.u32 s1, $0x2  }
0xbb: {  	s3 =	sand.u32 $0x4000, s31;
	s1 =	sadd.s32 s1, s30  }
0xbc: {  	s0 =	sor.u32 s3, s0;
	s1 =	sshll.u32 s1, $0x11  }
0xbd: {  	s0 =	sor.u32 s1, s0  }
0xbe: {  	s0 =	sadd.s32 $0x8F2B, s0  }
0xbf: {  	[sflag:s0] =	ssyncadd.remote.s32 $0x1  }
0xc0: {  	_ =	sfence.sel $0xFFFF  }
0xc1: {  	[dreg:$0x0] =	wrdreg $0xFFFFFFFF;
	(pc) =	sbr.abs _section_cstart, $3  }
0xc2: {  	[dreg:$0x1] =	wrdreg $0xFFFFFFFF  }
0xc3: {  	_ =	task.clear_ibuf [dreg:s7], $0x2FFFF;
	_ =	strace $0x9FFFFFFF  }
0xc4: {  	(tm) =	ssettm $0x7FFFFFFF  }
0xc5: {  	_ =	shalt  }
tec
execute0_lowered:
.L_overlay_start_1:
0x0: {  	(tag) =	ssettag $0x1  }
0x1: {  	s0 =	rddreg [dreg:$0x0]  }
0x2: {  	s9 =	rddreg [dreg:$0x1]  }
0x3: {  	s1 =	srdreg.scid;
	s2 =	rddreg [dreg:$0x2]  }
0x4: {  	s13 =	stileid.u32;
	s3 =	rddreg [dreg:$0x3]  }
0x5: {  	s15 =	simm.s32 $0x14000;
	s16 =	simm.s32 $0x16760;
	s17 =	simm.s32 $0x2  }
0x6: {  	s18 =	simm.s32 $0x60;
	s19 =	simm.s32 $0x18EC0;
	s21 =	simm.s32 $0x1A6C0  }
0x7: {  	s22 =	simm.s32 $0x1;
	s24 =	simm.s32 $0x1BEC0;
	s29 =	simm.s32 $0x14180  }
0x8: {  	s30 =	simm.s32 $0x18DA0;
	s31 =	simm.s32 $0x16700;
	s8 =	smul.u32 $0xA000, s13  }
0x9: {  	s20 =	simm.s32 $0x3;
	s1 =	sand.u32 $0x1, s1;
	s6 =	smul.u32 $0x1400, s13  }
0xa: {  	s23 =	simm.s32 $0x0;
	s4 =	sshll.u32 s1, $0x4;
	s7 =	smul.u32 $0x14000, s1  }
0xb: {  	s1 =	ssub.s32 $0x2, s1;
	s5 =	sor.u32 s13, s4;
	s4 =	simm.s32 $0x0  }
0xc: {  	s25 =	sshrl.u32 s8, $0x3;
	s26 =	sshrl.u32 s1, $0x1;
	s28 =	sadd.s32 s8, s2  }
0xd: {  	s14 =	sadd.s32 s8, s3;
	s10 =	smul.u32 $0x4EC, s5;
	[smem:$0x7FF] =	sst s4  }
0xe: {  	s11 =	sadd.s32 s25, s0;
	s5 =	sadd.s32 $0x48800, s0;
	s6 =	sadd.s32 s6, s7  }
0xf: {  	s1 =	ssub.s32 s1, s26;
	s14 =	sshrl.u32 s14, $0x3;
	_ =	strace $0x8000004A  }
0x10: {  	s8 =	sadd.s32 $0x2600, s11;
	s12 =	sadd.s32 s10, s0;
	s0 =	sadd.s32 s6, s0  }
0x11: {  	s6 =	sshll.u32 s13, $0x6;
	s9 =	sadd.s32 s9, s10;
	s13 =	sshrl.u32 s28, $0x3  }
0x12: {  	s7 =	sor.u32 $0x1C02, s6;
	s10 =	sadd.s32 $0x3E600, s12;
	s11 =	sadd.s32 $0x16600, s0  }
0x13: {  	s12 =	smax.u32 s1, $0x1;
	s1 =	simm.s32 $0x18E00;
	s0 =	simm.s32 $0x18E60  }
.LBB2_1:
0x14: {  	[spmem:s13], [sflag:s7] =	dma.local [hbm:s5], $0x1400  }
0x15: {  	[spmem:s14], [sflag:s7] =	dma.local [hbm:s8], $0x1400  }
0x16: {  	[tilespmem:s15], [sflag:$0x2] =	stream.linear.gather [hbm4b:s9+s4], $0x2760, $0x38;
	[tilespmem:$0x1D6C0] =	vst v63  }
0x17: {  	_ = 	snop  }
0x18: {  	[tilespmem:s16], [sflag:$0x2] =	stream.linear.gather [hbm4b:s10+s4], $0x2760, $0x38;
	[tilespmem:$0x1D6C0] =	vst v63  }
0x19: {  	_ =	swait.ge [sflag:s17], $0x1400  }
0x1a: {  	[sflag:s17] =	ssyncset.done $0x0  }
0x1b: {  	[sflag:s17] =	ssyncadd.s32 $0xFFFFEC00  }
0x1c: {  	_ =	swait.ge [sflag:s17], $0x1400  }
0x1d: {  	[sflag:s17] =	ssyncset.done $0x0  }
0x1e: {  	[sflag:s17] =	ssyncadd.s32 $0xFFFFEC00  }
0x1f: {  	_ =	swait.ge [sflag:s17], $0x2760  }
0x20: {  	[sflag:s17] =	ssyncset.done $0x0  }
0x21: {  	[sflag:s17] =	ssyncadd.s32 $0xFFFFD8A0  }
0x22: {  	_ =	swait.ge [sflag:s17], $0x2760  }
0x23: {  	[sflag:s17] =	ssyncset.done $0x0  }
0x24: {  	[sflag:s17] =	ssyncadd.s32 $0xFFFFD8A0  }
0x25: {  	[bflag:$0x0] =	sbarrier.arrive $0xFFFF  }
0x26: {  	[tilespmem:s19], [sflag:$0x1] =	stream.indirect.gather [spmem:s3], $0x40, s15, s18, $0xb8;
	[tilespmem:$0x1D6C0] =	vst v63  }
0x27: {  	s25 =	simm.s32 $0x14060  }
0x28: {  	[tilespmem:s21], [sflag:$0x1] =	stream.indirect.gather [spmem:s3], $0x40, s25, s18, $0xb8;
	[tilespmem:$0x1D6C0] =	vst v63  }
0x29: {  	_ =	swait.ge [sflag:s22], $0x1800  }
0x2a: {  	[sflag:s22] =	ssyncset.done $0x0  }
0x2b: {  	[sflag:s22] =	ssyncadd.s32 $0xFFFFE800  }
0x2c: {  	[spmem:s2] =	stream.indirect.scatter.add.f32 [tilespmem:s19], [sflag:$0x2], $0x40, s16, s18, $0xb8;
	[tilespmem:$0x1D6C0] =	vst v63  }
0x2d: {  	s28 =	simm.s32 $0x140C0  }
0x2e: {  	[tilespmem:s24], [sflag:$0x1] =	stream.indirect.gather [spmem:s3], $0x40, s28, s18, $0xb8;
	[tilespmem:$0x1D6C0] =	vst v63  }
0x2f: {  	_ =	swait.ge [sflag:s22], $0x1800  }
0x30: {  	[sflag:s22] =	ssyncset.done $0x0  }
0x31: {  	s26 =	simm.s32 $0x167C0;
	[sflag:s22] =	ssyncadd.s32 $0xFFFFE800  }
0x32: {  	[spmem:s2] =	stream.indirect.scatter.add.f32 [tilespmem:s21], [sflag:$0x2], $0x40, s26, s18, $0xb8;
	[tilespmem:$0x1D6C0] =	vst v63  }
0x33: {  	_ =	swait.ge [sflag:s17], $0x1800  }
0x34: {  	[sflag:s17] =	ssyncset.done $0x0  }
0x35: {  	s28 =	simm.s32 $0x14120;
	[sflag:s17] =	ssyncadd.s32 $0xFFFFE800  }
0x36: {  	[tilespmem:s19], [sflag:$0x1] =	stream.indirect.gather [spmem:s3], $0x40, s28, s18, $0xb8;
	[tilespmem:$0x1D6C0] =	vst v63  }
0x37: {  	_ =	swait.ge [sflag:s22], $0x1800  }
0x38: {  	[sflag:s22] =	ssyncset.done $0x0  }
0x39: {  	s26 =	simm.s32 $0x16820;
	[sflag:s22] =	ssyncadd.s32 $0xFFFFE800  }
0x3a: {  	[spmem:s2] =	stream.indirect.scatter.add.f32 [tilespmem:s24], [sflag:$0x2], $0x40, s26, s18, $0xb8;
	[tilespmem:$0x1D6C0] =	vst v63  }
0x3b: {  	_ =	swait.ge [sflag:s17], $0x1800  }
0x3c: {  	[sflag:s17] =	ssyncset.done $0x0  }
0x3d: {  	[sflag:s17] =	ssyncadd.s32 $0xFFFFE800  }
0x3e: {  	[tilespmem:s21], [sflag:$0x1] =	stream.indirect.gather [spmem:s3], $0x40, s29, s18, $0xb8;
	[tilespmem:$0x1D6C0] =	vst v63  }
0x3f: {  	_ =	swait.ge [sflag:s22], $0x1800  }
0x40: {  	[sflag:s22] =	ssyncset.done $0x0  }
0x41: {  	s28 =	simm.s32 $0x16880;
	[sflag:s22] =	ssyncadd.s32 $0xFFFFE800  }
0x42: {  	[spmem:s2] =	stream.indirect.scatter.add.f32 [tilespmem:s19], [sflag:$0x2], $0x40, s28, s18, $0xb8;
	[tilespmem:$0x1D6C0] =	vst v63  }
0x43: {  	_ =	swait.ge [sflag:s17], $0x1800  }
0x44: {  	[sflag:s17] =	ssyncset.done $0x0  }
0x45: {  	s26 =	simm.s32 $0x141E0;
	[sflag:s17] =	ssyncadd.s32 $0xFFFFE800  }
0x46: {  	[tilespmem:s24], [sflag:$0x1] =	stream.indirect.gather [spmem:s3], $0x40, s26, s18, $0xb8;
	[tilespmem:$0x1D6C0] =	vst v63  }
0x47: {  	_ =	swait.ge [sflag:s22], $0x1800  }
0x48: {  	[sflag:s22] =	ssyncset.done $0x0  }
0x49: {  	s28 =	simm.s32 $0x168E0;
	[sflag:s22] =	ssyncadd.s32 $0xFFFFE800  }
0x4a: {  	[spmem:s2] =	stream.indirect.scatter.add.f32 [tilespmem:s21], [sflag:$0x2], $0x40, s28, s18, $0xb8;
	[tilespmem:$0x1D6C0] =	vst v63  }
0x4b: {  	_ =	swait.ge [sflag:s17], $0x1800  }
0x4c: {  	[sflag:s17] =	ssyncset.done $0x0  }
0x4d: {  	s26 =	simm.s32 $0x14240;
	[sflag:s17] =	ssyncadd.s32 $0xFFFFE800  }
0x4e: {  	[tilespmem:s19], [sflag:$0x1] =	stream.indirect.gather [spmem:s3], $0x40, s26, s18, $0xb8;
	[tilespmem:$0x1D6C0] =	vst v63  }
0x4f: {  	_ =	swait.ge [sflag:s22], $0x1800  }
0x50: {  	[sflag:s22] =	ssyncset.done $0x0  }
0x51: {  	s28 =	simm.s32 $0x16940;
	[sflag:s22] =	ssyncadd.s32 $0xFFFFE800  }
0x52: {  	[spmem:s2] =	stream.indirect.scatter.add.f32 [tilespmem:s24], [sflag:$0x2], $0x40, s28, s18, $0xb8;
	[tilespmem:$0x1D6C0] =	vst v63  }
0x53: {  	_ =	swait.ge [sflag:s17], $0x1800  }
0x54: {  	[sflag:s17] =	ssyncset.done $0x0  }
0x55: {  	s25 =	simm.s32 $0x480;
	s26 =	simm.s32 $0x142A0;
	[sflag:s17] =	ssyncadd.s32 $0xFFFFE800  }
.LBB2_2:
0x56: {  	[tilespmem:s21], [sflag:$0x1] =	stream.indirect.gather [spmem:s3], $0x40, s26, s18, $0xb8;
	[tilespmem:$0x1D6C0] =	vst v63  }
0x57: {  	s26 =	smov.u32 s25  }
0x58: {  	p0 =	sne.s32 s25, $0x9000;
	s25 =	sadd.s32 $0x480, s25;
	_ =	swait.ge [sflag:s22], $0x1800  }
0x59: {  	s26 =	sshra.s32 s26, $0x2;
	[sflag:s22] =	ssyncset.done $0x0  }
0x5a: {  	s28 =	sadd.s32 $0x16880, s26;
	[sflag:s22] =	ssyncadd.s32 $0xFFFFE800  }
0x5b: {  	[spmem:s2] =	stream.indirect.scatter.add.f32 [tilespmem:s19], [sflag:$0x2], $0x40, s28, s18, $0xb8;
	[tilespmem:$0x1D6C0] =	vst v63  }
0x5c: {  	_ =	swait.ge [sflag:s17], $0x1800  }
0x5d: {  	[sflag:s17] =	ssyncset.done $0x0  }
0x5e: {  	s28 =	sadd.s32 $0x141E0, s26;
	[sflag:s17] =	ssyncadd.s32 $0xFFFFE800  }
0x5f: {  	[tilespmem:s24], [sflag:$0x1] =	stream.indirect.gather [spmem:s3], $0x40, s28, s18, $0xb8;
	[tilespmem:$0x1D6C0] =	vst v63  }
0x60: {  	_ =	swait.ge [sflag:s22], $0x1800  }
0x61: {  	[sflag:s22] =	ssyncset.done $0x0  }
0x62: {  	s28 =	sadd.s32 $0x168E0, s26;
	[sflag:s22] =	ssyncadd.s32 $0xFFFFE800  }
0x63: {  	[spmem:s2] =	stream.indirect.scatter.add.f32 [tilespmem:s21], [sflag:$0x2], $0x40, s28, s18, $0xb8;
	[tilespmem:$0x1D6C0] =	vst v63  }
0x64: {  	_ =	swait.ge [sflag:s17], $0x1800  }
0x65: {  	[sflag:s17] =	ssyncset.done $0x0  }
0x66: {  	s28 =	sadd.s32 $0x14240, s26;
	[sflag:s17] =	ssyncadd.s32 $0xFFFFE800  }
0x67: {  	[tilespmem:s19], [sflag:$0x1] =	stream.indirect.gather [spmem:s3], $0x40, s28, s18, $0xb8;
	[tilespmem:$0x1D6C0] =	vst v63  }
0x68: {  	_ =	swait.ge [sflag:s22], $0x1800  }
0x69: {  	[sflag:s22] =	ssyncset.done $0x0  }
.Ltmp0:
0x6a: {  	s28 =	sadd.s32 $0x16940, s26;
	[sflag:s22] =	ssyncadd.s32 $0xFFFFE800;
	(pc) =	sbr.rel @p0 .LBB2_2-.Ltmp0, $4  }
0x6b: {  	[spmem:s2] =	stream.indirect.scatter.add.f32 [tilespmem:s24], [sflag:$0x2], $0x40, s28, s18, $0xb8;
	[tilespmem:$0x1D6C0] =	vst v63  }
0x6c: {  	_ =	swait.ge [sflag:s17], $0x1800  }
0x6d: {  	[sflag:s17] =	ssyncset.done $0x0  }
0x6e: {  	s26 =	sadd.s32 $0x142A0, s26;
	[sflag:s17] =	ssyncadd.s32 $0xFFFFE800  }
0x6f: {  	[tilespmem:s21], [sflag:$0x1] =	stream.indirect.gather [spmem:s3], $0x40, s26, s18, $0xb8;
	[tilespmem:$0x1D6C0] =	vst v63  }
0x70: {  	_ =	swait.ge [sflag:s22], $0x1800  }
0x71: {  	[sflag:s22] =	ssyncset.done $0x0  }
0x72: {  	[sflag:s22] =	ssyncadd.s32 $0xFFFFE800  }
0x73: {  	[spmem:s2] =	stream.indirect.scatter.add.f32 [tilespmem:s19], [sflag:$0x2], $0x40, s30, s18, $0xb8;
	[tilespmem:$0x1D6C0] =	vst v63  }
0x74: {  	_ =	swait.ge [sflag:s17], $0x1800  }
0x75: {  	[sflag:s17] =	ssyncset.done $0x0  }
0x76: {  	[sflag:s17] =	ssyncadd.s32 $0xFFFFE800  }
0x77: {  	[tilespmem:s24], [sflag:$0x1] =	stream.indirect.gather [spmem:s3], $0x40, s31, s18, $0xb8;
	[tilespmem:$0x1D6C0] =	vst v63  }
0x78: {  	_ =	swait.ge [sflag:s22], $0x1800  }
0x79: {  	[sflag:s22] =	ssyncset.done $0x0  }
0x7a: {  	[sflag:s22] =	ssyncadd.s32 $0xFFFFE800  }
0x7b: {  	[spmem:s2] =	stream.indirect.scatter.add.f32 [tilespmem:s21], [sflag:$0x2], $0x40, s1, s18, $0xb8;
	[tilespmem:$0x1D6C0] =	vst v63  }
0x7c: {  	_ =	swait.ge [sflag:s17], $0x1800  }
0x7d: {  	[sflag:s17] =	ssyncset.done $0x0  }
0x7e: {  	[sflag:s17] =	ssyncadd.s32 $0xFFFFE800  }
0x7f: {  	_ =	swait.ge [sflag:s22], $0x1800  }
0x80: {  	[sflag:s22] =	ssyncset.done $0x0  }
0x81: {  	[sflag:s22] =	ssyncadd.s32 $0xFFFFE800  }
0x82: {  	[spmem:s2] =	stream.indirect.scatter.add.f32 [tilespmem:s24], [sflag:$0x2], $0x40, s0, s18, $0xb8;
	[tilespmem:$0x1D6C0] =	vst v63  }
0x83: {  	_ =	swait.ge [sflag:s17], $0x1800  }
0x84: {  	[sflag:s17] =	ssyncset.done $0x0  }
0x85: {  	[sflag:s17] =	ssyncadd.s32 $0xFFFFE800  }
0x86: {  	_ =	swait.ge [sflag:s17], $0x1800  }
0x87: {  	s23 =	sadd.s32 $0x1, s23;
	[sflag:s17] =	ssyncset.done $0x0  }
0x88: {  	p0 =	sne.s32 s23, s12;
	[sflag:s17] =	ssyncadd.s32 $0xFFFFE800  }
.Ltmp1:
0x89: {  	s25 =	sor.u32 $0x1C03, s6;
	[bflag:$0x0] =	sbarrier.arrive $0xFFFF;
	(pc) =	sbr.rel @p0 .LBB2_1-.Ltmp1, $4  }
0x8a: {  	[hbm:s11], [sflag:s25] =	dma.local [spmem:s13], $0x1400  }
0x8b: {  	_ =	swait.ge [sflag:s20], $0x1400  }
0x8c: {  	[sflag:s20] =	ssyncset.done $0x0  }
0x8d: {  	[sflag:s20] =	ssyncadd.s32 $0xFFFFEC00  }
0x8e: {  	_ =	sfence.sel $0x180000  }
0x8f: {  	[bflag:$0x0] =	sbarrier.arrive $0xFFFF  }
0x90: {  	_ =	strace $0x9000004A  }
0x91: {  	s0 =	stileid.u32;
	[bflag:$0x2] =	sbarrier.arrive $0xFFFF  }
0x92: {  	p0 =	sne.s32 s0, $0x0;
	s0 =	rddreg [dreg:$0x4]  }
0x93: {  	s0 =	sadd.s32 @!p0 $0x100000, s0  }
0x94: {  	[sflag:s0] =	ssyncadd.tile.s32 @!p0 $0x1;
	_ =	shalt  }
.Lfunc_end2:
_tile_overlayer_lowered:
.L_overlay_start_2:
0x95: {  	(tag) =	ssettag $0x2  }
0x96: {  	s0 =	rddreg [dreg:$0x0];
	s2 =	stileid.u32  }
0x97: {  	s1 =	rddreg [dreg:$0x1];
	p0 =	sne.s32 s2, $0x0  }
0x98: {  	s3 =	rddreg [dreg:$0x2];
	[bflag:$0x3] =	sbarrier.arrive $0xFFFF;
	s2 =	simm.s32 @!p0 $0x1C03  }
0x99: {  	[timem:s3], [sflag:s2] =	dma.local @!p0 [hbm:s0], s1  }
0x9a: {  	s0 =	simm.s32 @!p0 $0x3  }
0x9b: {  	_ =	swait.ge @!p0 [sflag:s0], s1  }
0x9c: {  	s1 =	ssub.s32 @!p0 $0x0, s1;
	[sflag:s0] =	ssyncset.done @!p0 $0x0  }
0x9d: {  	[sflag:s0] =	ssyncadd.s32 @!p0 s1  }
0x9e: {  	[bflag:$0x3] =	sbarrier.arrive $0xFFFF  }
0x9f: {  	_ =	shalt  }

// kernel: kernel.7.cloned.1.call-start
scs
__scs_entry_jumppad:
0x0: {  	(pc) =	sbr.rel $0x88, $3  }
0x1: {  	(tag) =	ssettag $0x0;
	lr =	simm.s32 $0x1  }
0x2: {  	[smem:$0x3F99] =	sst lr;
	_ =	strace $0xD0000000  }
0x3: {  	_ = 	snop  }
0x4: {  	_ = 	snop  }
0x5: {  	_ = 	snop  }
0x6: {  	_ = 	snop  }
0x7: {  	_ = 	snop  }
__scs_overlays_trampoline_lowered:
0x8: {  	[smem:$0x3FA8] =	sst s0  }
0x9: {  	[smem:$0x3FA9] =	sst s1  }
0xa: {  	[smem:$0x3FAA] =	sst s2  }
0xb: {  	[smem:$0x3FAB] =	sst s3  }
0xc: {  	[smem:$0x3FAC] =	sst s4  }
0xd: {  	[smem:$0x3FAD] =	sst s5  }
0xe: {  	[smem:$0x3FAE] =	sst s6  }
0xf: {  	[smem:$0x3FAF] =	sst s7  }
0x10: {  	[smem:$0x3FB0] =	sst s8  }
0x11: {  	[smem:$0x3FB1] =	sst s9;
	s0 =	simm.s32 @!p0 $0x0  }
0x12: {  	s1 =	sld [smem:$0x3F97];
	s0 =	simm.s32 @p0 $0x1  }
0x13: {  	[smem:$0x3FB2] =	sst s0;
	s0 =	simm.s32 @!p1 $0x0  }
0x14: {  	s2 =	sld [smem:$0x3F96];
	s0 =	simm.s32 @p1 $0x1  }
0x15: {  	[smem:$0x3FB3] =	sst s0;
	s0 =	simm.s32 @!p2 $0x0  }
0x16: {  	s3 =	sld [smem:$0x3FDB];
	s0 =	simm.s32 @p2 $0x1  }
0x17: {  	s4 =	simm.s32 $0x1BF5;
	[smem:$0x3FB5] =	sst s0  }
0x18: {  	s0 =	sld [smem:$0x3F98];
	_ =	swait.ge [sflag:s4], $0x0  }
0x19: {  	s7 =	sld [smem:$0x3F99]  }
0x1a: {  	s8 =	sadd.s32 $0xFFFFE003, lr  }
0x1b: {  	s9 =	sadd.s32 $0xFFFFFEF7, lr;
	s5 =	simm.s32 $0xFFFFFFFF;
	p2 =	slt.u32 s8, $0xFFFFF086  }
0x1c: {  	p1 =	slt.u32 s9, $0xF7A;
	s5 =	simm.s32 @!p2 $0x0  }
0x1d: {  	s5 =	simm.s32 @p1 $0x1;
	p0 =	seq.s32 s7, s2  }
0x1e: {  	s7 =	smul.u32 @!p0 $0xF7A, s2;
	p2 =	seq.s32 @!p0 s5, $0x0  }
0x1f: {  	s9 =	smul.u32 $0xF7A, s1;
	s8 =	simm.s32 @!p0 $0x1BF5;
	p2 =	por !p2, p0  }
0x20: {  	[sflag:s8] =	ssyncset.s32 @!p0 $0xFFFFF086;
	s6 =	sadd.s32 @!p0 s3, s7;
	s7 =	simm.s32 @!p0 $0x108  }
0x21: {  	s3 =	sadd.s32 s3, s9;
	s6 =	sadd.s32 @!p0 $0x88, s6;
	s7 =	simm.s32 @p2 $0x1082  }
0x22: {  	[simem:s7], [sflag:s8] =	dma.local @!p0 [hbm:s6], $0xF7A  }
0x23: {  	s9 =	sor.u32 $0xD0000000, s2;
	s6 =	simm.s32 $0x108;
	_ =	swait.ge @!p0 [sflag:s8], $0x0  }
0x24: {  	s3 =	sadd.s32 $0x88, s3;
	s6 =	simm.s32 @!p1 $0x1082;
	[sflag:s4] =	ssyncset.s32 $0xFFFFF086  }
0x25: {  	[simem:s6], [sflag:s4] =	dma.local [hbm:s3], $0xF7A  }
0x26: {  	[smem:$0x3F99] =	sst s1;
	(tag) =	ssettag s2;
	_ =	strace s9  }
0x27: {  	s1 =	sld [smem:$0x3FA9]  }
0x28: {  	s2 =	sld [smem:$0x3FAA]  }
0x29: {  	s4 =	sld [smem:$0x3FAC]  }
0x2a: {  	p0 =	seq.s32 s5, $0x0;
	s5 =	sld [smem:$0x3FAD]  }
0x2b: {  	s6 =	sld [smem:$0x3FAE]  }
0x2c: {  	s7 =	sld [smem:$0x3FAF]  }
0x2d: {  	s3 =	simm.s32 $0x108;
	s8 =	sld [smem:$0x3FB0]  }
0x2e: {  	s3 =	simm.s32 @!p0 $0x1082;
	s9 =	sld [smem:$0x3FB1]  }
0x2f: {  	lr =	sadd.s32 s0, s3;
	s0 =	sld [smem:$0x3FA8]  }
0x30: {  	s3 =	sld [smem:$0x3FAB]  }
0x31: {  	[smem:$0x3FB4] =	sst s10  }
0x32: {  	s10 =	sld [smem:$0x3FB2];
	_ =	sdelay $0x3  }
0x33: {  	p0 =	seq.s32 s10, $0x1;
	s10 =	sld [smem:$0x3FB4];
	_ =	sdelay $0x3  }
0x34: {  	[smem:$0x3FB4] =	sst s10  }
0x35: {  	s10 =	sld [smem:$0x3FB3];
	_ =	sdelay $0x3  }
0x36: {  	p1 =	seq.s32 s10, $0x1;
	s10 =	sld [smem:$0x3FB4];
	_ =	sdelay $0x3  }
0x37: {  	[smem:$0x3FB4] =	sst s10  }
0x38: {  	s10 =	sld [smem:$0x3FB5]  }
0x39: {  	_ = 	snop;
	(pc) =	sbr.ind lr, $3  }
0x3a: {  	_ = 	snop  }
0x3b: {  	_ = 	snop  }
0x3c: {  	p2 =	seq.s32 s10, $0x1;
	s10 =	sld [smem:$0x3FB4]  }
0x3d: {  	_ =	shalt  }
0x3e: {  	_ =	shalt  }
0x3f: {  	_ =	shalt  }
0x40: {  	_ =	shalt  }
0x41: {  	_ =	shalt  }
0x42: {  	_ =	shalt  }
0x43: {  	_ =	shalt  }
0x44: {  	_ =	shalt  }
0x45: {  	_ =	shalt  }
0x46: {  	_ =	shalt  }
0x47: {  	_ =	shalt  }
0x48: {  	_ =	shalt  }
0x49: {  	_ =	shalt  }
0x4a: {  	_ =	shalt  }
0x4b: {  	_ =	shalt  }
0x4c: {  	_ =	shalt  }
0x4d: {  	_ =	shalt  }
0x4e: {  	_ =	shalt  }
0x4f: {  	_ =	shalt  }
0x50: {  	_ =	shalt  }
0x51: {  	_ =	shalt  }
0x52: {  	_ =	shalt  }
0x53: {  	_ =	shalt  }
0x54: {  	_ =	shalt  }
0x55: {  	_ =	shalt  }
0x56: {  	_ =	shalt  }
0x57: {  	_ =	shalt  }
0x58: {  	_ =	shalt  }
0x59: {  	_ =	shalt  }
0x5a: {  	_ =	shalt  }
0x5b: {  	_ =	shalt  }
0x5c: {  	_ =	shalt  }
0x5d: {  	_ =	shalt  }
0x5e: {  	_ =	shalt  }
0x5f: {  	_ =	shalt  }
0x60: {  	_ =	shalt  }
0x61: {  	_ =	shalt  }
0x62: {  	_ =	shalt  }
0x63: {  	_ =	shalt  }
0x64: {  	_ =	shalt  }
0x65: {  	_ =	shalt  }
0x66: {  	_ =	shalt  }
0x67: {  	_ =	shalt  }
0x68: {  	_ =	shalt  }
0x69: {  	_ =	shalt  }
0x6a: {  	_ =	shalt  }
0x6b: {  	_ =	shalt  }
0x6c: {  	_ =	shalt  }
0x6d: {  	_ =	shalt  }
0x6e: {  	_ =	shalt  }
0x6f: {  	_ =	shalt  }
0x70: {  	_ =	shalt  }
0x71: {  	_ =	shalt  }
0x72: {  	_ =	shalt  }
0x73: {  	_ =	shalt  }
0x74: {  	_ =	shalt  }
0x75: {  	_ =	shalt  }
0x76: {  	_ =	shalt  }
0x77: {  	_ =	shalt  }
0x78: {  	_ =	shalt  }
0x79: {  	_ =	shalt  }
0x7a: {  	_ =	shalt  }
0x7b: {  	_ =	shalt  }
0x7c: {  	_ =	shalt  }
0x7d: {  	_ =	shalt  }
0x7e: {  	_ =	shalt  }
0x7f: {  	_ =	shalt  }
0x80: {  	_ =	shalt  }
0x81: {  	_ =	shalt  }
0x82: {  	_ =	shalt  }
0x83: {  	_ =	shalt  }
0x84: {  	_ =	shalt  }
0x85: {  	_ =	shalt  }
0x86: {  	_ =	shalt  }
0x87: {  	_ =	shalt  }
.Lfunc_end0:
.L_simem_size_0:
called_computation_lowered:
.L_overlay_start_0:
0x88: {  	s2 =	sld [smem:$0x3FD9]  }
0x89: {  	s3 =	sld [smem:$0x3FFE];
	_ =	sdelay $0x1  }
0x8a: {  	s1 =	srdreg.scid  }
0x8b: {  	s0 =	sand.u32 $0x1, s1  }
0x8c: {  	s17 =	sshll.u32 s0, $0xA;
	s2 =	sadd.s32 s3, s2  }
0x8d: {  	s2 =	sadd.s32 s2, s17  }
0x8e: {  	[smem:$0x3FC0] =	sst s2  }
0x8f: {  	_ = 	snop  }
0x90: {  	s2 =	sld [smem:$0x3FD0];
	(tm) =	ssettm $0x1  }
0x91: {  	s18 =	sld [smem:$0x3FFB];
	_ =	sdelay $0x3  }
0x92: {  	_ =	strace s18  }
0x93: {  	s3 =	sld [smem:$0x3FFC];
	_ =	sdelay $0x3  }
0x94: {  	_ =	strace s3  }
0x95: {  	s3 =	sld [smem:$0x3FFD];
	_ =	sdelay $0x3  }
0x96: {  	_ =	strace s3  }
0x97: {  	_ =	strace $0x8FFFFFFF  }
0x98: {  	s19 =	sld [smem:$0x3FDB];
	_ =	sdelay $0x1  }
0x99: {  	s4 =	simm.s32 $_scs_section_size  }
0x9a: {  	s5 =	simm.s32 $_size__tile_overlayer_lowered;
	s6 =	simm.s32 $_tile_overlayer_lowered  }
0x9b: {  	s22 =	simm.s32 $0x1BFF;
	s21 =	sshll.u32 s6, $0x1;
	s3 =	sadd.s32 s4, s19  }
0x9c: {  	s7 =	simm.s32 $0x0;
	s20 =	sshll.u32 s5, $0x1;
	s5 =	sadd.s32 s21, s3  }
0x9d: {  	[timem:s7], [sflag:s22] =	dma.local [hbm:s5], s20  }
0x9e: {  	_ =	swait.ge [sflag:s22], s20  }
0x9f: {  	s4 =	ssub.s32 $0x0, s20;
	[sflag:s22] =	ssyncset.done $0x0  }
0xa0: {  	[sflag:s22] =	ssyncadd.s32 s4;
	_ =	sdelay $0x1  }
0xa1: {  	s23 =	simm.s32 $0x1B8B  }
0xa2: {  	_ =	swait.ge [sflag:s23], $0x1  }
0xa3: {  	[sflag:s23] =	ssyncset.done $0x0  }
0xa4: {  	s25 =	simm.s32 $0x1B8E;
	s24 =	sld [smem:$0x3FFE];
	[sflag:s23] =	ssyncadd.s32 $0xFFFFFFFF  }
0xa5: {  	s26 =	simm.s32 $execute0_lowered;
	[smem:$0x3FD2] =	sst s25  }
0xa6: {  	s5 =	sshll.u32 s26, $0x1;
	_ =	strace $0x80000046;
	[dreg:$0x1] =	wrdreg $0xFFFFFFFF  }
0xa7: {  	s28 =	simm.s32 $_size_execute0_lowered;
	s3 =	sadd.s32 s3, s5;
	[dreg:$0x0] =	wrdreg $0x0  }
0xa8: {  	s5 =	sshll.u32 s28, $0x1;
	[dreg:$0x2] =	wrdreg s3  }
0xa9: {  	[dreg:$0x3] =	wrdreg s5  }
0xaa: {  	[dreg:$0x4] =	wrdreg $0xC0  }
0xab: {  	_ =	task [dreg:s7], $0x5FFFF  }
0xac: {  	[dreg:$0x1] =	wrdreg $0xFFFFFFFF  }
0xad: {  	[dreg:$0x0] =	wrdreg $0x60  }
0xae: {  	[dreg:$0x2] =	wrdreg s24  }
0xaf: {  	[dreg:$0x3] =	wrdreg s2  }
0xb0: {  	[dreg:$0x4] =	wrdreg $0x0  }
0xb1: {  	[dreg:$0x5] =	wrdreg $0xA2800  }
0xb2: {  	[dreg:$0x6] =	wrdreg $0xA0000  }
0xb3: {  	[dreg:$0x7] =	wrdreg $0x9  }
0xb4: {  	_ =	task.clear_ibuf [dreg:s7], $0x8FFFF;
	_ =	strace $0x90000046  }
0xb5: {  	s29 =	simm.s32 $0x9;
	_ =	strace $0x80000048  }
0xb6: {  	_ =	swait.ge [sflag:s29], $0x1  }
0xb7: {  	[sflag:s29] =	ssyncadd.s32 $0xFFFFFFFF  }
0xb8: {  	_ =	strace $0x90000048  }
0xb9: {  	_ =	sfence  }
0xba: {  	s30 =	sld [smem:$0x0];
	_ =	sdelay $0x2  }
0xbb: {  	s31 =	sshll.u32 s1, $0xD;
	s1 =	sshrl.u32 s1, $0x2  }
0xbc: {  	s3 =	sand.u32 $0x4000, s31;
	s1 =	sadd.s32 s1, s30  }
0xbd: {  	s0 =	sor.u32 s3, s0;
	s1 =	sshll.u32 s1, $0x11  }
0xbe: {  	s0 =	sor.u32 s1, s0  }
0xbf: {  	s0 =	sadd.s32 $0x8F2B, s0  }
0xc0: {  	[sflag:s0] =	ssyncadd.remote.s32 $0x1  }
0xc1: {  	_ =	sfence.sel $0xFFFF  }
0xc2: {  	[dreg:$0x0] =	wrdreg $0xFFFFFFFF;
	(pc) =	sbr.abs _section_cstart, $3  }
0xc3: {  	[dreg:$0x1] =	wrdreg $0xFFFFFFFF  }
0xc4: {  	_ =	task.clear_ibuf [dreg:s7], $0x2FFFF;
	_ =	strace $0x9FFFFFFF  }
0xc5: {  	(tm) =	ssettm $0x7FFFFFFF  }
tec
execute0_lowered:
.L_overlay_start_1:
0x0: {  	(tag) =	ssettag $0x1  }
0x1: {  	s0 =	rddreg [dreg:$0x0]  }
0x2: {  	s1 =	srdreg.scid;
	s2 =	rddreg [dreg:$0x1]  }
0x3: {  	s15 =	stileid.u32;
	s3 =	rddreg [dreg:$0x3];
	s28 =	simm.s32 $0x1A940  }
0x4: {  	s29 =	simm.s32 $0x1;
	s31 =	simm.s32 $0x1C140;
	s30 =	simm.s32 $0x19080  }
0x5: {  	s6 =	sand.u32 $0x1, s1;
	s1 =	rddreg [dreg:$0x2];
	s7 =	smul.u32 $0xA000, s15  }
0x6: {  	s11 =	smul.u32 $0x280, s15;
	s17 =	sadd.s32 $0x48800, s0;
	s19 =	sadd.s32 $0x48600, s0  }
0x7: {  	s20 =	sadd.s32 $0x48400, s0;
	s23 =	sshll.u32 s15, $0x6;
	s4 =	sshll.u32 s6, $0x4  }
0x8: {  	s10 =	smul.u32 $0x2800, s6;
	s6 =	ssub.s32 $0x2, s6;
	s5 =	sor.u32 s15, s4  }
0x9: {  	s4 =	rddreg [dreg:$0x4];
	s9 =	sshrl.u32 s7, $0x3;
	s22 =	sshrl.u32 s6, $0x1  }
0xa: {  	s8 =	smul.u32 $0x4EC, s5;
	s5 =	simm.s32 $0x0;
	s12 =	sadd.s32 s9, s0  }
0xb: {  	s18 =	sadd.s32 s11, s10;
	s6 =	ssub.s32 s6, s22;
	s10 =	sor.u32 $0x1C02, s23  }
0xc: {  	s26 =	sadd.s32 s11, s4;
	s22 =	simm.s32 $0x1D940;
	s11 =	simm.s32 $0x0  }
0xd: {  	[smem:$0x7FF] =	sst s5;
	s21 =	sshll.u32 s18, $0x3;
	s9 =	sshrl.u32 s18, $0x3  }
0xe: {  	s24 =	sadd.s32 $0x2A600, s12;
	_ =	strace $0x80000047;
	[dreg:$0x6] =	wrdreg s17  }
0xf: {  	s16 =	smax.u32 s6, $0x1;
	s6 =	simm.s32 $0x190E0;
	[dreg:$0x7] =	wrdreg s19  }
0x10: {  	s13 =	sadd.s32 s8, s0;
	[dreg:$0x8] =	wrdreg s20;
	s14 =	sadd.s32 s21, s0  }
0x11: {  	s0 =	sadd.s32 s9, s0;
	s17 =	sadd.s32 s7, s1;
	[dreg:$0x9] =	wrdreg s23  }
0x12: {  	s7 =	sadd.s32 s7, s3;
	[dreg:$0xa] =	wrdreg s24;
	s2 =	sadd.s32 s2, s8  }
0x13: {  	s19 =	simm.s32 $0x14280;
	s20 =	simm.s32 $0x169E0;
	s21 =	sshrl.u32 s26, $0x3  }
0x14: {  	s23 =	simm.s32 $0x2;
	s24 =	simm.s32 $0x60;
	s26 =	simm.s32 $0x16AA0  }
0x15: {  	s8 =	simm.s32 $0x4;
	[dreg:$0xb] =	wrdreg s2;
	s25 =	sadd.s32 $0x3E600, s13  }
0x16: {  	s14 =	sadd.s32 $0x4A600, s14;
	s15 =	sadd.s32 $0x49C00, s0;
	s17 =	sshrl.u32 s17, $0x3  }
0x17: {  	s18 =	sshrl.u32 s7, $0x3;
	s2 =	simm.s32 $0x16A40;
	s0 =	simm.s32 $0x19020  }
0x18: {  	s7 =	simm.s32 $0x3;
	[dreg:$0xc] =	wrdreg s25;
	s25 =	simm.s32 $0x19140  }
.LBB2_1:
0x19: {  	s9 =	rddreg [dreg:$0x6]  }
0x1a: {  	[spmem:s17], [sflag:s10] =	dma.local [hbm:s9], $0x1400  }
0x1b: {  	s9 =	rddreg [dreg:$0xa]  }
0x1c: {  	[spmem:s18], [sflag:s10] =	dma.local [hbm:s9], $0x1400  }
0x1d: {  	s9 =	rddreg [dreg:$0xb]  }
0x1e: {  	s12 =	rddreg [dreg:$0xc]  }
0x1f: {  	[tilespmem:s19], [sflag:$0x2] =	stream.linear.gather [hbm4b:s9+s5], $0x2760, $0x38;
	[tilespmem:$0x1D9A0] =	vst v63  }
0x20: {  	s13 =	rddreg [dreg:$0x7]  }
0x21: {  	[tilespmem:s20], [sflag:$0x2] =	stream.linear.gather [hbm4b:s12+s5], $0x2760, $0x38;
	[tilespmem:$0x1D9A0] =	vst v63  }
0x22: {  	[spmem:s21], [sflag:s10] =	dma.local [hbm:s13], $0x50  }
0x23: {  	s9 =	rddreg [dreg:$0x8]  }
0x24: {  	[tilespmem:s22], [sflag:$0x2] =	stream.linear.gather [hbm4b:s9+s5], $0x60, $0x38;
	[tilespmem:$0x1D9A0] =	vst v63  }
0x25: {  	_ =	swait.ge [sflag:s23], $0x1400  }
0x26: {  	[sflag:s23] =	ssyncset.done $0x0  }
0x27: {  	[sflag:s23] =	ssyncadd.s32 $0xFFFFEC00  }
0x28: {  	_ =	swait.ge [sflag:s23], $0x1400  }
0x29: {  	[sflag:s23] =	ssyncset.done $0x0  }
0x2a: {  	[sflag:s23] =	ssyncadd.s32 $0xFFFFEC00  }
0x2b: {  	_ =	swait.ge [sflag:s23], $0x2760  }
0x2c: {  	[sflag:s23] =	ssyncset.done $0x0  }
0x2d: {  	[sflag:s23] =	ssyncadd.s32 $0xFFFFD8A0  }
0x2e: {  	_ =	swait.ge [sflag:s23], $0x2760  }
0x2f: {  	[sflag:s23] =	ssyncset.done $0x0  }
0x30: {  	[sflag:s23] =	ssyncadd.s32 $0xFFFFD8A0  }
0x31: {  	_ =	swait.ge [sflag:s23], $0x50  }
0x32: {  	[sflag:s23] =	ssyncset.done $0x0  }
0x33: {  	[sflag:s23] =	ssyncadd.s32 $0xFFFFFFB0  }
0x34: {  	_ =	swait.ge [sflag:s23], $0x60  }
0x35: {  	[sflag:s23] =	ssyncset.done $0x0  }
0x36: {  	[sflag:s23] =	ssyncadd.s32 $0xFFFFFFA0  }
0x37: {  	[bflag:$0x0] =	sbarrier.arrive $0xFFFF  }
0x38: {  	[tilespmem:s25], [sflag:$0x1] =	stream.indirect.gather [spmem:s3], $0x40, s19, s24, $0xb8;
	[tilespmem:$0x1D9A0] =	vst v63  }
0x39: {  	s12 =	simm.s32 $0x142E0  }
0x3a: {  	[tilespmem:s28], [sflag:$0x1] =	stream.indirect.gather [spmem:s3], $0x40, s12, s24, $0xb8;
	[tilespmem:$0x1D9A0] =	vst v63  }
0x3b: {  	_ =	swait.ge [sflag:s29], $0x1800  }
0x3c: {  	[sflag:s29] =	ssyncset.done $0x0  }
0x3d: {  	[sflag:s29] =	ssyncadd.s32 $0xFFFFE800  }
0x3e: {  	[spmem:s4] =	stream.indirect.scatter.add.f32 [tilespmem:s22], [sflag:$0x3], $0x1, s20, s24, $0xb8;
	[tilespmem:$0x1D9A0] =	vst v63  }
0x3f: {  	_ = 	snop  }
0x40: {  	[spmem:s1] =	stream.indirect.scatter.add.f32 [tilespmem:s25], [sflag:$0x2], $0x40, s20, s24, $0xb8;
	[tilespmem:$0x1D9A0] =	vst v63  }
0x41: {  	s13 =	simm.s32 $0x14340  }
0x42: {  	[tilespmem:s31], [sflag:$0x1] =	stream.indirect.gather [spmem:s3], $0x40, s13, s24, $0xb8;
	[tilespmem:$0x1D9A0] =	vst v63  }
0x43: {  	_ =	swait.ge [sflag:s29], $0x1800  }
0x44: {  	[sflag:s29] =	ssyncset.done $0x0  }
0x45: {  	[sflag:s29] =	ssyncadd.s32 $0xFFFFE800  }
0x46: {  	[spmem:s4] =	stream.indirect.scatter.add.f32 [tilespmem:s22], [sflag:$0x3], $0x1, s2, s24, $0xb8;
	[tilespmem:$0x1D9A0] =	vst v63  }
0x47: {  	_ = 	snop  }
0x48: {  	[spmem:s1] =	stream.indirect.scatter.add.f32 [tilespmem:s28], [sflag:$0x2], $0x40, s2, s24, $0xb8;
	[tilespmem:$0x1D9A0] =	vst v63  }
0x49: {  	_ =	swait.ge [sflag:s23], $0x1800  }
0x4a: {  	[sflag:s23] =	ssyncset.done $0x0  }
0x4b: {  	s12 =	simm.s32 $0x143A0;
	[sflag:s23] =	ssyncadd.s32 $0xFFFFE800  }
0x4c: {  	[tilespmem:s25], [sflag:$0x1] =	stream.indirect.gather [spmem:s3], $0x40, s12, s24, $0xb8;
	[tilespmem:$0x1D9A0] =	vst v63  }
0x4d: {  	_ =	swait.ge [sflag:s29], $0x1800  }
0x4e: {  	[sflag:s29] =	ssyncset.done $0x0  }
0x4f: {  	[sflag:s29] =	ssyncadd.s32 $0xFFFFE800  }
0x50: {  	[spmem:s4] =	stream.indirect.scatter.add.f32 [tilespmem:s22], [sflag:$0x3], $0x1, s26, s24, $0xb8;
	[tilespmem:$0x1D9A0] =	vst v63  }
0x51: {  	_ = 	snop  }
0x52: {  	[spmem:s1] =	stream.indirect.scatter.add.f32 [tilespmem:s31], [sflag:$0x2], $0x40, s26, s24, $0xb8;
	[tilespmem:$0x1D9A0] =	vst v63  }
0x53: {  	_ =	swait.ge [sflag:s23], $0x1800  }
0x54: {  	[sflag:s23] =	ssyncset.done $0x0  }
0x55: {  	s13 =	simm.s32 $0x14400;
	[sflag:s23] =	ssyncadd.s32 $0xFFFFE800  }
0x56: {  	[tilespmem:s28], [sflag:$0x1] =	stream.indirect.gather [spmem:s3], $0x40, s13, s24, $0xb8;
	[tilespmem:$0x1D9A0] =	vst v63  }
0x57: {  	_ =	swait.ge [sflag:s29], $0x1800  }
0x58: {  	[sflag:s29] =	ssyncset.done $0x0  }
0x59: {  	s12 =	simm.s32 $0x16B00;
	[sflag:s29] =	ssyncadd.s32 $0xFFFFE800  }
0x5a: {  	[spmem:s4] =	stream.indirect.scatter.add.f32 [tilespmem:s22], [sflag:$0x3], $0x1, s12, s24, $0xb8;
	[tilespmem:$0x1D9A0] =	vst v63  }
0x5b: {  	_ = 	snop  }
0x5c: {  	[spmem:s1] =	stream.indirect.scatter.add.f32 [tilespmem:s25], [sflag:$0x2], $0x40, s12, s24, $0xb8;
	[tilespmem:$0x1D9A0] =	vst v63  }
0x5d: {  	_ =	swait.ge [sflag:s23], $0x1800  }
0x5e: {  	[sflag:s23] =	ssyncset.done $0x0  }
0x5f: {  	s9 =	simm.s32 $0x14460;
	[sflag:s23] =	ssyncadd.s32 $0xFFFFE800  }
0x60: {  	[tilespmem:s31], [sflag:$0x1] =	stream.indirect.gather [spmem:s3], $0x40, s9, s24, $0xb8;
	[tilespmem:$0x1D9A0] =	vst v63  }
0x61: {  	_ =	swait.ge [sflag:s29], $0x1800  }
0x62: {  	[sflag:s29] =	ssyncset.done $0x0  }
0x63: {  	s13 =	simm.s32 $0x16B60;
	[sflag:s29] =	ssyncadd.s32 $0xFFFFE800  }
0x64: {  	[spmem:s4] =	stream.indirect.scatter.add.f32 [tilespmem:s22], [sflag:$0x3], $0x1, s13, s24, $0xb8;
	[tilespmem:$0x1D9A0] =	vst v63  }
0x65: {  	_ = 	snop  }
0x66: {  	[spmem:s1] =	stream.indirect.scatter.add.f32 [tilespmem:s28], [sflag:$0x2], $0x40, s13, s24, $0xb8;
	[tilespmem:$0x1D9A0] =	vst v63  }
0x67: {  	_ =	swait.ge [sflag:s23], $0x1800  }
0x68: {  	[sflag:s23] =	ssyncset.done $0x0  }
0x69: {  	s9 =	simm.s32 $0x144C0;
	[sflag:s23] =	ssyncadd.s32 $0xFFFFE800  }
0x6a: {  	[tilespmem:s25], [sflag:$0x1] =	stream.indirect.gather [spmem:s3], $0x40, s9, s24, $0xb8;
	[tilespmem:$0x1D9A0] =	vst v63  }
0x6b: {  	_ =	swait.ge [sflag:s29], $0x1800  }
0x6c: {  	[sflag:s29] =	ssyncset.done $0x0  }
0x6d: {  	s13 =	simm.s32 $0x16BC0;
	[sflag:s29] =	ssyncadd.s32 $0xFFFFE800  }
0x6e: {  	[spmem:s4] =	stream.indirect.scatter.add.f32 [tilespmem:s22], [sflag:$0x3], $0x1, s13, s24, $0xb8;
	[tilespmem:$0x1D9A0] =	vst v63  }
0x6f: {  	_ = 	snop  }
0x70: {  	[spmem:s1] =	stream.indirect.scatter.add.f32 [tilespmem:s31], [sflag:$0x2], $0x40, s13, s24, $0xb8;
	[tilespmem:$0x1D9A0] =	vst v63  }
0x71: {  	_ =	swait.ge [sflag:s23], $0x1800  }
0x72: {  	[sflag:s23] =	ssyncset.done $0x0  }
0x73: {  	s12 =	simm.s32 $0x480;
	s13 =	simm.s32 $0x14520;
	[sflag:s23] =	ssyncadd.s32 $0xFFFFE800  }
.LBB2_2:
0x74: {  	[tilespmem:s28], [sflag:$0x1] =	stream.indirect.gather [spmem:s3], $0x40, s13, s24, $0xb8;
	[tilespmem:$0x1D9A0] =	vst v63  }
0x75: {  	s13 =	smov.u32 s12  }
0x76: {  	p0 =	sne.s32 s12, $0x9000;
	s12 =	sadd.s32 $0x480, s12;
	_ =	swait.ge [sflag:s29], $0x1800  }
0x77: {  	s13 =	sshra.s32 s13, $0x2;
	[sflag:s29] =	ssyncset.done $0x0  }
0x78: {  	s9 =	sadd.s32 $0x16B00, s13;
	[sflag:s29] =	ssyncadd.s32 $0xFFFFE800  }
0x79: {  	[spmem:s4] =	stream.indirect.scatter.add.f32 [tilespmem:s22], [sflag:$0x3], $0x1, s9, s24, $0xb8;
	[tilespmem:$0x1D9A0] =	vst v63  }
0x7a: {  	_ = 	snop  }
0x7b: {  	[spmem:s1] =	stream.indirect.scatter.add.f32 [tilespmem:s25], [sflag:$0x2], $0x40, s9, s24, $0xb8;
	[tilespmem:$0x1D9A0] =	vst v63  }
0x7c: {  	_ =	swait.ge [sflag:s23], $0x1800  }
0x7d: {  	[sflag:s23] =	ssyncset.done $0x0  }
0x7e: {  	s9 =	sadd.s32 $0x14460, s13;
	[sflag:s23] =	ssyncadd.s32 $0xFFFFE800  }
0x7f: {  	[tilespmem:s31], [sflag:$0x1] =	stream.indirect.gather [spmem:s3], $0x40, s9, s24, $0xb8;
	[tilespmem:$0x1D9A0] =	vst v63  }
0x80: {  	_ =	swait.ge [sflag:s29], $0x1800  }
0x81: {  	[sflag:s29] =	ssyncset.done $0x0  }
0x82: {  	s9 =	sadd.s32 $0x16B60, s13;
	[sflag:s29] =	ssyncadd.s32 $0xFFFFE800  }
0x83: {  	[spmem:s4] =	stream.indirect.scatter.add.f32 [tilespmem:s22], [sflag:$0x3], $0x1, s9, s24, $0xb8;
	[tilespmem:$0x1D9A0] =	vst v63  }
0x84: {  	_ = 	snop  }
0x85: {  	[spmem:s1] =	stream.indirect.scatter.add.f32 [tilespmem:s28], [sflag:$0x2], $0x40, s9, s24, $0xb8;
	[tilespmem:$0x1D9A0] =	vst v63  }
0x86: {  	_ =	swait.ge [sflag:s23], $0x1800  }
0x87: {  	[sflag:s23] =	ssyncset.done $0x0  }
0x88: {  	s9 =	sadd.s32 $0x144C0, s13;
	[sflag:s23] =	ssyncadd.s32 $0xFFFFE800  }
0x89: {  	[tilespmem:s25], [sflag:$0x1] =	stream.indirect.gather [spmem:s3], $0x40, s9, s24, $0xb8;
	[tilespmem:$0x1D9A0] =	vst v63  }
0x8a: {  	_ =	swait.ge [sflag:s29], $0x1800  }
0x8b: {  	[sflag:s29] =	ssyncset.done $0x0  }
0x8c: {  	s9 =	sadd.s32 $0x16BC0, s13;
	[sflag:s29] =	ssyncadd.s32 $0xFFFFE800  }
0x8d: {  	[spmem:s4] =	stream.indirect.scatter.add.f32 [tilespmem:s22], [sflag:$0x3], $0x1, s9, s24, $0xb8;
	[tilespmem:$0x1D9A0] =	vst v63  }
.Ltmp0:
0x8e: {  	(pc) =	sbr.rel @p0 .LBB2_2-.Ltmp0, $4  }
0x8f: {  	[spmem:s1] =	stream.indirect.scatter.add.f32 [tilespmem:s31], [sflag:$0x2], $0x40, s9, s24, $0xb8;
	[tilespmem:$0x1D9A0] =	vst v63  }
0x90: {  	_ =	swait.ge [sflag:s23], $0x1800  }
0x91: {  	[sflag:s23] =	ssyncset.done $0x0  }
0x92: {  	s13 =	sadd.s32 $0x14520, s13;
	[sflag:s23] =	ssyncadd.s32 $0xFFFFE800  }
0x93: {  	[tilespmem:s28], [sflag:$0x1] =	stream.indirect.gather [spmem:s3], $0x40, s13, s24, $0xb8;
	[tilespmem:$0x1D9A0] =	vst v63  }
0x94: {  	_ =	swait.ge [sflag:s29], $0x1800  }
0x95: {  	[sflag:s29] =	ssyncset.done $0x0  }
0x96: {  	[sflag:s29] =	ssyncadd.s32 $0xFFFFE800  }
0x97: {  	[spmem:s4] =	stream.indirect.scatter.add.f32 [tilespmem:s22], [sflag:$0x3], $0x1, s0, s24, $0xb8;
	[tilespmem:$0x1D9A0] =	vst v63  }
0x98: {  	_ = 	snop  }
0x99: {  	[spmem:s1] =	stream.indirect.scatter.add.f32 [tilespmem:s25], [sflag:$0x2], $0x40, s0, s24, $0xb8;
	[tilespmem:$0x1D9A0] =	vst v63  }
0x9a: {  	_ =	swait.ge [sflag:s23], $0x1800  }
0x9b: {  	[sflag:s23] =	ssyncset.done $0x0  }
0x9c: {  	s9 =	simm.s32 $0x16980;
	[sflag:s23] =	ssyncadd.s32 $0xFFFFE800  }
0x9d: {  	[tilespmem:s31], [sflag:$0x1] =	stream.indirect.gather [spmem:s3], $0x40, s9, s24, $0xb8;
	[tilespmem:$0x1D9A0] =	vst v63  }
0x9e: {  	_ =	swait.ge [sflag:s29], $0x1800  }
0x9f: {  	[sflag:s29] =	ssyncset.done $0x0  }
0xa0: {  	[sflag:s29] =	ssyncadd.s32 $0xFFFFE800  }
0xa1: {  	[spmem:s4] =	stream.indirect.scatter.add.f32 [tilespmem:s22], [sflag:$0x3], $0x1, s30, s24, $0xb8;
	[tilespmem:$0x1D9A0] =	vst v63  }
0xa2: {  	_ = 	snop  }
0xa3: {  	[spmem:s1] =	stream.indirect.scatter.add.f32 [tilespmem:s28], [sflag:$0x2], $0x40, s30, s24, $0xb8;
	[tilespmem:$0x1D9A0] =	vst v63  }
0xa4: {  	_ =	swait.ge [sflag:s23], $0x1800  }
0xa5: {  	[sflag:s23] =	ssyncset.done $0x0  }
0xa6: {  	[sflag:s23] =	ssyncadd.s32 $0xFFFFE800  }
0xa7: {  	_ =	swait.ge [sflag:s29], $0x1800  }
0xa8: {  	[sflag:s29] =	ssyncset.done $0x0  }
0xa9: {  	[sflag:s29] =	ssyncadd.s32 $0xFFFFE800  }
0xaa: {  	[spmem:s4] =	stream.indirect.scatter.add.f32 [tilespmem:s22], [sflag:$0x3], $0x1, s6, s24, $0xb8;
	[tilespmem:$0x1D9A0] =	vst v63  }
0xab: {  	_ = 	snop  }
0xac: {  	[spmem:s1] =	stream.indirect.scatter.add.f32 [tilespmem:s31], [sflag:$0x2], $0x40, s6, s24, $0xb8;
	[tilespmem:$0x1D9A0] =	vst v63  }
0xad: {  	_ =	swait.ge [sflag:s23], $0x1800  }
0xae: {  	[sflag:s23] =	ssyncset.done $0x0  }
0xaf: {  	[sflag:s23] =	ssyncadd.s32 $0xFFFFE800  }
0xb0: {  	_ =	swait.ge [sflag:s23], $0x1800  }
0xb1: {  	[sflag:s23] =	ssyncset.done $0x0  }
0xb2: {  	[sflag:s23] =	ssyncadd.s32 $0xFFFFE800  }
0xb3: {  	_ =	swait.ge [sflag:s7], $0x60  }
0xb4: {  	s12 =	simm.s32 $0x68;
	[sflag:s7] =	ssyncset.done $0x0  }
.LBB2_4:
0xb5: {  	p0 =	sne.s32 s12, $0x1;
	s12 =	sadd.s32 $0xFFFFFFFF, s12;
	[sflag:s7] =	ssyncadd.s32 $0xFFFFFFA0  }
.Ltmp1:
0xb6: {  	(pc) =	sbr.rel @p0 .LBB2_4-.Ltmp1, $3  }
0xb7: {  	_ =	sdelay $0x1  }
0xb8: {  	_ =	swait.ge [sflag:s7], $0x60  }
0xb9: {  	[sflag:s7] =	ssyncset.done $0x0  }
0xba: {  	[sflag:s7] =	ssyncadd.s32 $0xFFFFFFA0  }
0xbb: {  	[bflag:$0x0] =	sbarrier.arrive $0xFFFF  }
0xbc: {  	s9 =	rddreg [dreg:$0x9]  }
0xbd: {  	s9 =	sor.u32 $0x1C04, s9  }
0xbe: {  	[hbm:s14], [sflag:s9] =	dma.local [spmem:s17], $0x1400  }
0xbf: {  	s11 =	sadd.s32 $0x1, s11;
	_ =	swait.ge [sflag:s8], $0x1400  }
0xc0: {  	p0 =	sne.s32 s11, s16;
	[sflag:s8] =	ssyncset.done $0x0  }
.Ltmp2:
0xc1: {  	[sflag:s8] =	ssyncadd.s32 $0xFFFFEC00;
	(pc) =	sbr.rel @p0 .LBB2_1-.Ltmp2, $4  }
0xc2: {  	[hbm:s15], [sflag:s9] =	dma.local [spmem:s21], $0x50  }
0xc3: {  	_ =	swait.ge [sflag:s8], $0x50  }
0xc4: {  	[sflag:s8] =	ssyncset.done $0x0  }
0xc5: {  	[sflag:s8] =	ssyncadd.s32 $0xFFFFFFB0  }
0xc6: {  	_ =	sfence.sel $0x180000  }
0xc7: {  	[bflag:$0x0] =	sbarrier.arrive $0xFFFF  }
0xc8: {  	_ =	strace $0x90000047  }
0xc9: {  	s0 =	stileid.u32;
	[bflag:$0x2] =	sbarrier.arrive $0xFFFF  }
0xca: {  	p0 =	sne.s32 s0, $0x0;
	s0 =	rddreg [dreg:$0x5]  }
0xcb: {  	s0 =	sadd.s32 @!p0 $0x100000, s0  }
0xcc: {  	[sflag:s0] =	ssyncadd.tile.s32 @!p0 $0x1;
	_ =	shalt  }
.Lfunc_end2:
_tile_overlayer_lowered:
.L_overlay_start_2:
0xcd: {  	(tag) =	ssettag $0x2  }
0xce: {  	s0 =	rddreg [dreg:$0x0];
	s2 =	stileid.u32  }
0xcf: {  	s1 =	rddreg [dreg:$0x1];
	p0 =	sne.s32 s2, $0x0  }
0xd0: {  	s3 =	rddreg [dreg:$0x2];
	[bflag:$0x3] =	sbarrier.arrive $0xFFFF;
	s2 =	simm.s32 @!p0 $0x1C04  }
0xd1: {  	[timem:s3], [sflag:s2] =	dma.local @!p0 [hbm:s0], s1  }
0xd2: {  	s0 =	simm.s32 @!p0 $0x4  }
0xd3: {  	_ =	swait.ge @!p0 [sflag:s0], s1  }
0xd4: {  	s1 =	ssub.s32 @!p0 $0x0, s1;
	[sflag:s0] =	ssyncset.done @!p0 $0x0  }
0xd5: {  	[sflag:s0] =	ssyncadd.s32 @!p0 s1  }
0xd6: {  	[bflag:$0x3] =	sbarrier.arrive $0xFFFF  }
0xd7: {  	_ =	shalt  }

</sc_bundles>
